<compile_context>
chip_gen: v7x
topology: tpu7x:2x2x1
jax: 0.10.2.dev20260603
libtpu: 0.0.44.dev20260713+nightly
codegen_flags: <defaults>
</compile_context>

<pallas_src>
import functools

import jax
import jax.numpy as jnp
from jax import lax
from jax.experimental import pallas as pl
from jax.experimental.pallas import tpu as pltpu
from jax.experimental.pallas import tpu_sc as plsc


@functools.lru_cache(maxsize=None)
def _make_gather(S: int, B: int, V: int, D: int):
    info = plsc.get_sparse_core_info()
    NC, NS = info.num_cores, info.num_subcores
    NW = NC * NS
    N = S * B
    assert N % NW == 0
    rows_per_w = N // NW
    s_per_w = S // NW
    HCH = 32
    NB = 3
    nchunk = rows_per_w // HCH
    assert s_per_w % HCH == 0

    mesh = plsc.VectorSubcoreMesh(core_axis_name="c", subcore_axis_name="s")

    @functools.partial(
        pl.kernel,
        mesh=mesh,
        out_type=jax.ShapeDtypeStruct((S, B, D), jnp.float32),
        scratch_types=[
            pltpu.VMEM((B, s_per_w), jnp.int32),
        ] + [pltpu.VMEM((HCH, D), jnp.float32) for _ in range(NB)]
          + [pltpu.SemaphoreType.DMA for _ in range(2 * NB)],
    )
    def gather_k(tok_hbm, table_hbm, out_hbm, idx_v, *bufs_and_sems):
        bufs = bufs_and_sems[:NB]
        gsems = bufs_and_sems[NB:2 * NB]
        osems = bufs_and_sems[2 * NB:]
        out_v = out_hbm.reshape(NW, s_per_w, B, D)
        wid = lax.axis_index("s") * NC + lax.axis_index("c")
        s_base = wid * s_per_w
        for bt in range(B):
            pltpu.sync_copy(tok_hbm.at[bt, pl.ds(s_base, s_per_w)],
                            idx_v.at[bt])

        def start_gather(c):
            b = c % NB
            bt, h = divmod(c, s_per_w // HCH)
            return pltpu.async_copy(
                table_hbm.at[idx_v.at[bt, pl.ds(h * HCH, HCH)]],
                bufs[b], gsems[b])

        def start_outcopy(c):
            b = c % NB
            bt, h = divmod(c, s_per_w // HCH)
            return pltpu.async_copy(
                bufs[b], out_v.at[wid, pl.ds(h * HCH, HCH), bt], osems[b])

        ghandles = [None] * nchunk
        ohandles = [None] * nchunk
        owaited = [False] * nchunk
        for c in range(min(NB, nchunk)):
            ghandles[c] = start_gather(c)
        for c in range(nchunk):
            ghandles[c].wait()
            ohandles[c] = start_outcopy(c)
            nxt = c + NB - 1
            if c >= 1 and nxt < nchunk:
                ohandles[c - 1].wait()
                owaited[c - 1] = True
                ghandles[nxt] = start_gather(nxt)
        for c in range(nchunk):
            if not owaited[c]:
                ohandles[c].wait()

    return gather_k


@functools.lru_cache(maxsize=None)
def _make_passthrough(B: int, S: int, D: int):
    N = B * S
    BLK = 512
    TNB = 4
    nchunk = N // BLK
    assert N % BLK == 0

    def body(src_ref, dst_ref, *bufs_and_sems):
        bufs = bufs_and_sems[:TNB]
        isems = bufs_and_sems[TNB:2 * TNB]
        osems = bufs_and_sems[2 * TNB:]

        def start_in(c):
            b = c % TNB
            return pltpu.make_async_copy(
                src_ref.at[pl.ds(c * BLK, BLK)], bufs[b], isems[b])

        def start_out(c):
            b = c % TNB
            return pltpu.make_async_copy(
                bufs[b], dst_ref.at[pl.ds(c * BLK, BLK)], osems[b])

        ih = [None] * nchunk
        oh = [None] * nchunk
        ow = [False] * nchunk
        for c in range(min(TNB, nchunk)):
            ih[c] = start_in(c)
            ih[c].start()
        for c in range(nchunk):
            ih[c].wait()
            oh[c] = start_out(c)
            oh[c].start()
            nxt = c + TNB - 1
            if c >= 1 and nxt < nchunk:
                oh[c - 1].wait()
                ow[c - 1] = True
                ih[nxt] = start_in(nxt)
                ih[nxt].start()
        for c in range(nchunk):
            if not ow[c]:
                oh[c].wait()

    def run(x):
        flat = x.reshape(N, D)
        out = pl.pallas_call(
            body,
            in_specs=[pl.BlockSpec(memory_space=pl.ANY)],
            out_specs=pl.BlockSpec(memory_space=pl.ANY),
            out_shape=jax.ShapeDtypeStruct((N, D), jnp.float32),
            scratch_shapes=[pltpu.VMEM((BLK, D), jnp.float32)
                            for _ in range(TNB)]
                           + [pltpu.SemaphoreType.DMA for _ in range(2 * TNB)],
        )(flat)
        return out.reshape(B, S, D)

    return run


def kernel(enc_hidden_states, dec_tokens, enc_attn_mask, dec_attn_mask,
           enc_dec_attn_mask, dec_labels, table):
    B, S = dec_tokens.shape
    V, D = table.shape
    tok = dec_tokens if dec_tokens.dtype == jnp.int32 else (
        dec_tokens.astype(jnp.int32))
    hidden_states = _make_gather(S, B, V, D)(tok, table)
    enc_out = _make_passthrough(B, S, D)(enc_hidden_states)
    return (enc_out, hidden_states)

# --- scband reference (transcript-rebuilt; emitter-appended) ---
"""Pipeline reference for scband-t5-decoder-embeddings-67259187855772 (READ-ONLY COPY).

The authoritative reference and input builder live on the scoring server;
editing this copy changes nothing except your own understanding.
"""

import jax, jax.numpy as jnp
import numpy as np

B, S, V, D = 4, 2048, 100000, 1024

def setup_inputs(seed: int = 0) -> dict:
    key = jax.random.key(seed)
    k1, k2, k3, k4 = jax.random.split(key, 4)
    return {
        "enc_hidden_states": jax.random.normal(k1, (B, S, D), dtype=jnp.float32),
        "dec_tokens": jax.random.randint(k2, (B, S), 0, V, dtype=jnp.int64) if jax.config.jax_enable_x64 else jax.random.randint(k2, (B, S), 0, V).astype(jnp.int32),
        "enc_attn_mask": jnp.ones((B, S), dtype=bool),
        "dec_attn_mask": jnp.ones((B, S), dtype=bool),
        "enc_dec_attn_mask": jnp.ones((B, S), dtype=bool),
        "dec_labels": jax.random.randint(k3, (B, S), 0, V),
        "table": jax.random.normal(k4, (V, D), dtype=jnp.float32) * 0.02,
    }

def reference(enc_hidden_states, dec_tokens, enc_attn_mask, dec_attn_mask, enc_dec_attn_mask, dec_labels, table):
    # vocab_sp = False: no token slicing
    # embedding lookup (shared decoder embedding table)
    hidden_states = jnp.take(table, dec_tokens, axis=0)  # [B, S, D]
    # transpose(0, 1) -> [S, B, D]
    hidden_states = jnp.transpose(hidden_states, (1, 0, 2))
    # sequence_parallel = False branch: dropout with p=0.0 (eval) -> identity
    return (enc_hidden_states, hidden_states)

if __name__ == "__main__":
    import jax
    _d = setup_inputs()
    print(jax.jit(kernel)(*tuple(_d.values())))

</pallas_src>

<mosaic_0001>
#map = affine_map<(d0, d1) -> (0, 0)>
#map1 = affine_map<(d0, d1) -> (0, 0, 0)>
module attributes {stable_mosaic.version = 14 : i64} {
  func.func @gather_k(%arg0: i32, %arg1: i32, %arg2: memref<4x2048xi32, #tpu.memory_space<hbm>>, %arg3: memref<100000x1024xf32, #tpu.memory_space<hbm>>, %arg4: memref<2048x4x1024xf32, #tpu.memory_space<hbm>>, %arg5: memref<4x64xi32, #tpu.memory_space<vmem>>, %arg6: memref<32x1024xf32, #tpu.memory_space<vmem>>, %arg7: memref<32x1024xf32, #tpu.memory_space<vmem>>, %arg8: memref<32x1024xf32, #tpu.memory_space<vmem>>, %arg9: memref<!tpu.dma_semaphore, #tpu.memory_space<semaphore_mem>>, %arg10: memref<!tpu.dma_semaphore, #tpu.memory_space<semaphore_mem>>, %arg11: memref<!tpu.dma_semaphore, #tpu.memory_space<semaphore_mem>>, %arg12: memref<!tpu.dma_semaphore, #tpu.memory_space<semaphore_mem>>, %arg13: memref<!tpu.dma_semaphore, #tpu.memory_space<semaphore_mem>>, %arg14: memref<!tpu.dma_semaphore, #tpu.memory_space<semaphore_mem>>) attributes {dimension_semantics = [#tpu.dimension_semantics<core_parallel>, #tpu.dimension_semantics<subcore_parallel>], iteration_bounds = array<i64: 2, 16>, scalar_prefetch = 0 : i64, scratch_operands = 10 : i64, tpu.core_type = #tpu.core_type<sc_vector_subcore>, window_params = [{transform_indices = #map}, {transform_indices = #map}, {transform_indices = #map1}]} {
    %mul3A = arith.constant 2 : i32
    %mul3A_0 = arith.muli %arg1, %mul3A : i32
    %add3A = arith.addi %mul3A_0, %arg0 : i32
    %mul3A_1 = arith.constant 64 : i32
    %mul3A_2 = arith.muli %add3A, %mul3A_1 : i32
    %run_scoped3A = arith.constant 0 : i32
    %run_scoped3A_3 = arith.constant 0 : i32
    "tpu.region"() ({
      %run_scoped3A_296 = tpu.sem_alloc : memref<!tpu.dma_semaphore, #tpu.memory_space<semaphore_mem>>
      %dma_start3A_297 = arith.constant 0 : i32
      %dma_start3A_298 = tpu.memref_slice %arg5[%run_scoped3A_3, %dma_start3A_297] : memref<4x64xi32, #tpu.memory_space<vmem>> -> memref<1x64xi32, #tpu.memory_space<vmem>>
      %dma_start3A_299 = tpu.memref_squeeze %dma_start3A_298 : memref<1x64xi32, #tpu.memory_space<vmem>> -> memref<64xi32, #tpu.memory_space<vmem>>
      %dma_start3A_300 = tpu.memref_slice %arg2[%run_scoped3A, %mul3A_2] : memref<4x2048xi32, #tpu.memory_space<hbm>> -> memref<1x64xi32, #tpu.memory_space<hbm>>
      %dma_start3A_301 = tpu.memref_squeeze %dma_start3A_300 : memref<1x64xi32, #tpu.memory_space<hbm>> -> memref<64xi32, #tpu.memory_space<hbm>>
      %dma_start3A_302 = arith.constant 0 : i32
      %dma_start3A_303 = tpu.memref_slice %arg5[%run_scoped3A_3, %dma_start3A_302] : memref<4x64xi32, #tpu.memory_space<vmem>> -> memref<1x64xi32, #tpu.memory_space<vmem>>
      %dma_start3A_304 = tpu.memref_squeeze %dma_start3A_303 : memref<1x64xi32, #tpu.memory_space<vmem>> -> memref<64xi32, #tpu.memory_space<vmem>>
      %dma_start3A_305 = tpu.memref_slice %arg2[%run_scoped3A, %mul3A_2] : memref<4x2048xi32, #tpu.memory_space<hbm>> -> memref<1x64xi32, #tpu.memory_space<hbm>>
      %dma_start3A_306 = tpu.memref_squeeze %dma_start3A_305 : memref<1x64xi32, #tpu.memory_space<hbm>> -> memref<64xi32, #tpu.memory_space<hbm>>
      tpu.enqueue_dma source(%dma_start3A_306 : memref<64xi32, #tpu.memory_space<hbm>>) target(%dma_start3A_304 : memref<64xi32, #tpu.memory_space<vmem>>) target_semaphore(%run_scoped3A_296 : memref<!tpu.dma_semaphore, #tpu.memory_space<semaphore_mem>>)
      %dma_wait3A_307 = arith.constant 0 : i32
      %dma_wait3A_308 = tpu.memref_slice %arg5[%run_scoped3A_3, %dma_wait3A_307] : memref<4x64xi32, #tpu.memory_space<vmem>> -> memref<1x64xi32, #tpu.memory_space<vmem>>
      %dma_wait3A_309 = tpu.memref_squeeze %dma_wait3A_308 : memref<1x64xi32, #tpu.memory_space<vmem>> -> memref<64xi32, #tpu.memory_space<vmem>>
      %dma_wait3A_310 = tpu.memref_slice %arg2[%run_scoped3A, %mul3A_2] : memref<4x2048xi32, #tpu.memory_space<hbm>> -> memref<1x64xi32, #tpu.memory_space<hbm>>
      %dma_wait3A_311 = tpu.memref_squeeze %dma_wait3A_310 : memref<1x64xi32, #tpu.memory_space<hbm>> -> memref<64xi32, #tpu.memory_space<hbm>>
      %dma_wait3A_312 = arith.constant 0 : i32
      %dma_wait3A_313 = tpu.memref_slice %arg5[%run_scoped3A_3, %dma_wait3A_312] : memref<4x64xi32, #tpu.memory_space<vmem>> -> memref<1x64xi32, #tpu.memory_space<vmem>>
      %dma_wait3A_314 = tpu.memref_squeeze %dma_wait3A_313 : memref<1x64xi32, #tpu.memory_space<vmem>> -> memref<64xi32, #tpu.memory_space<vmem>>
      %dma_wait3A_315 = tpu.memref_slice %arg2[%run_scoped3A, %mul3A_2] : memref<4x2048xi32, #tpu.memory_space<hbm>> -> memref<1x64xi32, #tpu.memory_space<hbm>>
      %dma_wait3A_316 = tpu.memref_squeeze %dma_wait3A_315 : memref<1x64xi32, #tpu.memory_space<hbm>> -> memref<64xi32, #tpu.memory_space<hbm>>
      tpu.wait_dma2 semaphore(%run_scoped3A_296 : memref<!tpu.dma_semaphore, #tpu.memory_space<semaphore_mem>>) src(%dma_wait3A_316 : memref<64xi32, #tpu.memory_space<hbm>>) dst(%dma_wait3A_314 : memref<64xi32, #tpu.memory_space<vmem>>)
      tpu.yield
    }) : () -> ()
    %run_scoped3A_4 = arith.constant 1 : i32
    %run_scoped3A_5 = arith.constant 1 : i32
    "tpu.region"() ({
      %run_scoped3A_296 = tpu.sem_alloc : memref<!tpu.dma_semaphore, #tpu.memory_space<semaphore_mem>>
      %dma_start3A_297 = arith.constant 0 : i32
      %dma_start3A_298 = tpu.memref_slice %arg5[%run_scoped3A_5, %dma_start3A_297] : memref<4x64xi32, #tpu.memory_space<vmem>> -> memref<1x64xi32, #tpu.memory_space<vmem>>
      %dma_start3A_299 = tpu.memref_squeeze %dma_start3A_298 : memref<1x64xi32, #tpu.memory_space<vmem>> -> memref<64xi32, #tpu.memory_space<vmem>>
      %dma_start3A_300 = tpu.memref_slice %arg2[%run_scoped3A_4, %mul3A_2] : memref<4x2048xi32, #tpu.memory_space<hbm>> -> memref<1x64xi32, #tpu.memory_space<hbm>>
      %dma_start3A_301 = tpu.memref_squeeze %dma_start3A_300 : memref<1x64xi32, #tpu.memory_space<hbm>> -> memref<64xi32, #tpu.memory_space<hbm>>
      %dma_start3A_302 = arith.constant 0 : i32
      %dma_start3A_303 = tpu.memref_slice %arg5[%run_scoped3A_5, %dma_start3A_302] : memref<4x64xi32, #tpu.memory_space<vmem>> -> memref<1x64xi32, #tpu.memory_space<vmem>>
      %dma_start3A_304 = tpu.memref_squeeze %dma_start3A_303 : memref<1x64xi32, #tpu.memory_space<vmem>> -> memref<64xi32, #tpu.memory_space<vmem>>
      %dma_start3A_305 = tpu.memref_slice %arg2[%run_scoped3A_4, %mul3A_2] : memref<4x2048xi32, #tpu.memory_space<hbm>> -> memref<1x64xi32, #tpu.memory_space<hbm>>
      %dma_start3A_306 = tpu.memref_squeeze %dma_start3A_305 : memref<1x64xi32, #tpu.memory_space<hbm>> -> memref<64xi32, #tpu.memory_space<hbm>>
      tpu.enqueue_dma source(%dma_start3A_306 : memref<64xi32, #tpu.memory_space<hbm>>) target(%dma_start3A_304 : memref<64xi32, #tpu.memory_space<vmem>>) target_semaphore(%run_scoped3A_296 : memref<!tpu.dma_semaphore, #tpu.memory_space<semaphore_mem>>)
      %dma_wait3A_307 = arith.constant 0 : i32
      %dma_wait3A_308 = tpu.memref_slice %arg5[%run_scoped3A_5, %dma_wait3A_307] : memref<4x64xi32, #tpu.memory_space<vmem>> -> memref<1x64xi32, #tpu.memory_space<vmem>>
      %dma_wait3A_309 = tpu.memref_squeeze %dma_wait3A_308 : memref<1x64xi32, #tpu.memory_space<vmem>> -> memref<64xi32, #tpu.memory_space<vmem>>
      %dma_wait3A_310 = tpu.memref_slice %arg2[%run_scoped3A_4, %mul3A_2] : memref<4x2048xi32, #tpu.memory_space<hbm>> -> memref<1x64xi32, #tpu.memory_space<hbm>>
      %dma_wait3A_311 = tpu.memref_squeeze %dma_wait3A_310 : memref<1x64xi32, #tpu.memory_space<hbm>> -> memref<64xi32, #tpu.memory_space<hbm>>
      %dma_wait3A_312 = arith.constant 0 : i32
      %dma_wait3A_313 = tpu.memref_slice %arg5[%run_scoped3A_5, %dma_wait3A_312] : memref<4x64xi32, #tpu.memory_space<vmem>> -> memref<1x64xi32, #tpu.memory_space<vmem>>
      %dma_wait3A_314 = tpu.memref_squeeze %dma_wait3A_313 : memref<1x64xi32, #tpu.memory_space<vmem>> -> memref<64xi32, #tpu.memory_space<vmem>>
      %dma_wait3A_315 = tpu.memref_slice %arg2[%run_scoped3A_4, %mul3A_2] : memref<4x2048xi32, #tpu.memory_space<hbm>> -> memref<1x64xi32, #tpu.memory_space<hbm>>
      %dma_wait3A_316 = tpu.memref_squeeze %dma_wait3A_315 : memref<1x64xi32, #tpu.memory_space<hbm>> -> memref<64xi32, #tpu.memory_space<hbm>>
      tpu.wait_dma2 semaphore(%run_scoped3A_296 : memref<!tpu.dma_semaphore, #tpu.memory_space<semaphore_mem>>) src(%dma_wait3A_316 : memref<64xi32, #tpu.memory_space<hbm>>) dst(%dma_wait3A_314 : memref<64xi32, #tpu.memory_space<vmem>>)
      tpu.yield
    }) : () -> ()
    %run_scoped3A_6 = arith.constant 2 : i32
    %run_scoped3A_7 = arith.constant 2 : i32
    "tpu.region"() ({
      %run_scoped3A_296 = tpu.sem_alloc : memref<!tpu.dma_semaphore, #tpu.memory_space<semaphore_mem>>
      %dma_start3A_297 = arith.constant 0 : i32
      %dma_start3A_298 = tpu.memref_slice %arg5[%run_scoped3A_7, %dma_start3A_297] : memref<4x64xi32, #tpu.memory_space<vmem>> -> memref<1x64xi32, #tpu.memory_space<vmem>>
      %dma_start3A_299 = tpu.memref_squeeze %dma_start3A_298 : memref<1x64xi32, #tpu.memory_space<vmem>> -> memref<64xi32, #tpu.memory_space<vmem>>
      %dma_start3A_300 = tpu.memref_slice %arg2[%run_scoped3A_6, %mul3A_2] : memref<4x2048xi32, #tpu.memory_space<hbm>> -> memref<1x64xi32, #tpu.memory_space<hbm>>
      %dma_start3A_301 = tpu.memref_squeeze %dma_start3A_300 : memref<1x64xi32, #tpu.memory_space<hbm>> -> memref<64xi32, #tpu.memory_space<hbm>>
      %dma_start3A_302 = arith.constant 0 : i32
      %dma_start3A_303 = tpu.memref_slice %arg5[%run_scoped3A_7, %dma_start3A_302] : memref<4x64xi32, #tpu.memory_space<vmem>> -> memref<1x64xi32, #tpu.memory_space<vmem>>
      %dma_start3A_304 = tpu.memref_squeeze %dma_start3A_303 : memref<1x64xi32, #tpu.memory_space<vmem>> -> memref<64xi32, #tpu.memory_space<vmem>>
      %dma_start3A_305 = tpu.memref_slice %arg2[%run_scoped3A_6, %mul3A_2] : memref<4x2048xi32, #tpu.memory_space<hbm>> -> memref<1x64xi32, #tpu.memory_space<hbm>>
      %dma_start3A_306 = tpu.memref_squeeze %dma_start3A_305 : memref<1x64xi32, #tpu.memory_space<hbm>> -> memref<64xi32, #tpu.memory_space<hbm>>
      tpu.enqueue_dma source(%dma_start3A_306 : memref<64xi32, #tpu.memory_space<hbm>>) target(%dma_start3A_304 : memref<64xi32, #tpu.memory_space<vmem>>) target_semaphore(%run_scoped3A_296 : memref<!tpu.dma_semaphore, #tpu.memory_space<semaphore_mem>>)
      %dma_wait3A_307 = arith.constant 0 : i32
      %dma_wait3A_308 = tpu.memref_slice %arg5[%run_scoped3A_7, %dma_wait3A_307] : memref<4x64xi32, #tpu.memory_space<vmem>> -> memref<1x64xi32, #tpu.memory_space<vmem>>
      %dma_wait3A_309 = tpu.memref_squeeze %dma_wait3A_308 : memref<1x64xi32, #tpu.memory_space<vmem>> -> memref<64xi32, #tpu.memory_space<vmem>>
      %dma_wait3A_310 = tpu.memref_slice %arg2[%run_scoped3A_6, %mul3A_2] : memref<4x2048xi32, #tpu.memory_space<hbm>> -> memref<1x64xi32, #tpu.memory_space<hbm>>
      %dma_wait3A_311 = tpu.memref_squeeze %dma_wait3A_310 : memref<1x64xi32, #tpu.memory_space<hbm>> -> memref<64xi32, #tpu.memory_space<hbm>>
      %dma_wait3A_312 = arith.constant 0 : i32
      %dma_wait3A_313 = tpu.memref_slice %arg5[%run_scoped3A_7, %dma_wait3A_312] : memref<4x64xi32, #tpu.memory_space<vmem>> -> memref<1x64xi32, #tpu.memory_space<vmem>>
      %dma_wait3A_314 = tpu.memref_squeeze %dma_wait3A_313 : memref<1x64xi32, #tpu.memory_space<vmem>> -> memref<64xi32, #tpu.memory_space<vmem>>
      %dma_wait3A_315 = tpu.memref_slice %arg2[%run_scoped3A_6, %mul3A_2] : memref<4x2048xi32, #tpu.memory_space<hbm>> -> memref<1x64xi32, #tpu.memory_space<hbm>>
      %dma_wait3A_316 = tpu.memref_squeeze %dma_wait3A_315 : memref<1x64xi32, #tpu.memory_space<hbm>> -> memref<64xi32, #tpu.memory_space<hbm>>
      tpu.wait_dma2 semaphore(%run_scoped3A_296 : memref<!tpu.dma_semaphore, #tpu.memory_space<semaphore_mem>>) src(%dma_wait3A_316 : memref<64xi32, #tpu.memory_space<hbm>>) dst(%dma_wait3A_314 : memref<64xi32, #tpu.memory_space<vmem>>)
      tpu.yield
    }) : () -> ()
    %run_scoped3A_8 = arith.constant 3 : i32
    %run_scoped3A_9 = arith.constant 3 : i32
    "tpu.region"() ({
      %run_scoped3A_296 = tpu.sem_alloc : memref<!tpu.dma_semaphore, #tpu.memory_space<semaphore_mem>>
      %dma_start3A_297 = arith.constant 0 : i32
      %dma_start3A_298 = tpu.memref_slice %arg5[%run_scoped3A_9, %dma_start3A_297] : memref<4x64xi32, #tpu.memory_space<vmem>> -> memref<1x64xi32, #tpu.memory_space<vmem>>
      %dma_start3A_299 = tpu.memref_squeeze %dma_start3A_298 : memref<1x64xi32, #tpu.memory_space<vmem>> -> memref<64xi32, #tpu.memory_space<vmem>>
      %dma_start3A_300 = tpu.memref_slice %arg2[%run_scoped3A_8, %mul3A_2] : memref<4x2048xi32, #tpu.memory_space<hbm>> -> memref<1x64xi32, #tpu.memory_space<hbm>>
      %dma_start3A_301 = tpu.memref_squeeze %dma_start3A_300 : memref<1x64xi32, #tpu.memory_space<hbm>> -> memref<64xi32, #tpu.memory_space<hbm>>
      %dma_start3A_302 = arith.constant 0 : i32
      %dma_start3A_303 = tpu.memref_slice %arg5[%run_scoped3A_9, %dma_start3A_302] : memref<4x64xi32, #tpu.memory_space<vmem>> -> memref<1x64xi32, #tpu.memory_space<vmem>>
      %dma_start3A_304 = tpu.memref_squeeze %dma_start3A_303 : memref<1x64xi32, #tpu.memory_space<vmem>> -> memref<64xi32, #tpu.memory_space<vmem>>
      %dma_start3A_305 = tpu.memref_slice %arg2[%run_scoped3A_8, %mul3A_2] : memref<4x2048xi32, #tpu.memory_space<hbm>> -> memref<1x64xi32, #tpu.memory_space<hbm>>
      %dma_start3A_306 = tpu.memref_squeeze %dma_start3A_305 : memref<1x64xi32, #tpu.memory_space<hbm>> -> memref<64xi32, #tpu.memory_space<hbm>>
      tpu.enqueue_dma source(%dma_start3A_306 : memref<64xi32, #tpu.memory_space<hbm>>) target(%dma_start3A_304 : memref<64xi32, #tpu.memory_space<vmem>>) target_semaphore(%run_scoped3A_296 : memref<!tpu.dma_semaphore, #tpu.memory_space<semaphore_mem>>)
      %dma_wait3A_307 = arith.constant 0 : i32
      %dma_wait3A_308 = tpu.memref_slice %arg5[%run_scoped3A_9, %dma_wait3A_307] : memref<4x64xi32, #tpu.memory_space<vmem>> -> memref<1x64xi32, #tpu.memory_space<vmem>>
      %dma_wait3A_309 = tpu.memref_squeeze %dma_wait3A_308 : memref<1x64xi32, #tpu.memory_space<vmem>> -> memref<64xi32, #tpu.memory_space<vmem>>
      %dma_wait3A_310 = tpu.memref_slice %arg2[%run_scoped3A_8, %mul3A_2] : memref<4x2048xi32, #tpu.memory_space<hbm>> -> memref<1x64xi32, #tpu.memory_space<hbm>>
      %dma_wait3A_311 = tpu.memref_squeeze %dma_wait3A_310 : memref<1x64xi32, #tpu.memory_space<hbm>> -> memref<64xi32, #tpu.memory_space<hbm>>
      %dma_wait3A_312 = arith.constant 0 : i32
      %dma_wait3A_313 = tpu.memref_slice %arg5[%run_scoped3A_9, %dma_wait3A_312] : memref<4x64xi32, #tpu.memory_space<vmem>> -> memref<1x64xi32, #tpu.memory_space<vmem>>
      %dma_wait3A_314 = tpu.memref_squeeze %dma_wait3A_313 : memref<1x64xi32, #tpu.memory_space<vmem>> -> memref<64xi32, #tpu.memory_space<vmem>>
      %dma_wait3A_315 = tpu.memref_slice %arg2[%run_scoped3A_8, %mul3A_2] : memref<4x2048xi32, #tpu.memory_space<hbm>> -> memref<1x64xi32, #tpu.memory_space<hbm>>
      %dma_wait3A_316 = tpu.memref_squeeze %dma_wait3A_315 : memref<1x64xi32, #tpu.memory_space<hbm>> -> memref<64xi32, #tpu.memory_space<hbm>>
      tpu.wait_dma2 semaphore(%run_scoped3A_296 : memref<!tpu.dma_semaphore, #tpu.memory_space<semaphore_mem>>) src(%dma_wait3A_316 : memref<64xi32, #tpu.memory_space<hbm>>) dst(%dma_wait3A_314 : memref<64xi32, #tpu.memory_space<vmem>>)
      tpu.yield
    }) : () -> ()
    %dma_start3A = arith.constant 0 : i32
    %dma_start3A_10 = arith.constant 0 : i32
    %dma_start3A_11 = tpu.memref_slice %arg5[%dma_start3A, %dma_start3A_10] : memref<4x64xi32, #tpu.memory_space<vmem>> -> memref<1x32xi32, #tpu.memory_space<vmem>>
    %dma_start3A_12 = tpu.memref_squeeze %dma_start3A_11 : memref<1x32xi32, #tpu.memory_space<vmem>> -> memref<32xi32, #tpu.memory_space<vmem>>
    %dma_start3A_13 = arith.constant 0 : i32
    %dma_start3A_14 = arith.constant 0 : i32
    %dma_start3A_15 = tpu.memref_slice %arg3[%dma_start3A_13, %dma_start3A_14] : memref<100000x1024xf32, #tpu.memory_space<hbm>> -> memref<100000x1024xf32, #tpu.memory_space<hbm>>
    tpu.enqueue_indirect_dma source(%dma_start3A_15 : memref<100000x1024xf32, #tpu.memory_space<hbm>>) target(%arg6 : memref<32x1024xf32, #tpu.memory_space<vmem>>) offsets(%dma_start3A_12 : memref<32xi32, #tpu.memory_space<vmem>>) semaphore(%arg9 : memref<!tpu.dma_semaphore, #tpu.memory_space<semaphore_mem>>)
    %dma_start3A_16 = arith.constant 0 : i32
    %dma_start3A_17 = arith.constant 32 : i32
    %dma_start3A_18 = tpu.memref_slice %arg5[%dma_start3A_16, %dma_start3A_17] : memref<4x64xi32, #tpu.memory_space<vmem>> -> memref<1x32xi32, #tpu.memory_space<vmem>>
    %dma_start3A_19 = tpu.memref_squeeze %dma_start3A_18 : memref<1x32xi32, #tpu.memory_space<vmem>> -> memref<32xi32, #tpu.memory_space<vmem>>
    %dma_start3A_20 = arith.constant 0 : i32
    %dma_start3A_21 = arith.constant 0 : i32
    %dma_start3A_22 = tpu.memref_slice %arg3[%dma_start3A_20, %dma_start3A_21] : memref<100000x1024xf32, #tpu.memory_space<hbm>> -> memref<100000x1024xf32, #tpu.memory_space<hbm>>
    tpu.enqueue_indirect_dma source(%dma_start3A_22 : memref<100000x1024xf32, #tpu.memory_space<hbm>>) target(%arg7 : memref<32x1024xf32, #tpu.memory_space<vmem>>) offsets(%dma_start3A_19 : memref<32xi32, #tpu.memory_space<vmem>>) semaphore(%arg10 : memref<!tpu.dma_semaphore, #tpu.memory_space<semaphore_mem>>)
    %dma_start3A_23 = arith.constant 1 : i32
    %dma_start3A_24 = arith.constant 0 : i32
    %dma_start3A_25 = tpu.memref_slice %arg5[%dma_start3A_23, %dma_start3A_24] : memref<4x64xi32, #tpu.memory_space<vmem>> -> memref<1x32xi32, #tpu.memory_space<vmem>>
    %dma_start3A_26 = tpu.memref_squeeze %dma_start3A_25 : memref<1x32xi32, #tpu.memory_space<vmem>> -> memref<32xi32, #tpu.memory_space<vmem>>
    %dma_start3A_27 = arith.constant 0 : i32
    %dma_start3A_28 = arith.constant 0 : i32
    %dma_start3A_29 = tpu.memref_slice %arg3[%dma_start3A_27, %dma_start3A_28] : memref<100000x1024xf32, #tpu.memory_space<hbm>> -> memref<100000x1024xf32, #tpu.memory_space<hbm>>
    tpu.enqueue_indirect_dma source(%dma_start3A_29 : memref<100000x1024xf32, #tpu.memory_space<hbm>>) target(%arg8 : memref<32x1024xf32, #tpu.memory_space<vmem>>) offsets(%dma_start3A_26 : memref<32xi32, #tpu.memory_space<vmem>>) semaphore(%arg11 : memref<!tpu.dma_semaphore, #tpu.memory_space<semaphore_mem>>)
    %dma_wait3A = arith.constant 0 : i32
    %dma_wait3A_30 = arith.constant 0 : i32
    %dma_wait3A_31 = tpu.memref_slice %arg5[%dma_wait3A, %dma_wait3A_30] : memref<4x64xi32, #tpu.memory_space<vmem>> -> memref<1x32xi32, #tpu.memory_space<vmem>>
    %dma_wait3A_32 = tpu.memref_squeeze %dma_wait3A_31 : memref<1x32xi32, #tpu.memory_space<vmem>> -> memref<32xi32, #tpu.memory_space<vmem>>
    %dma_wait3A_33 = arith.constant 0 : i32
    %dma_wait3A_34 = arith.constant 0 : i32
    %dma_wait3A_35 = tpu.memref_slice %arg3[%dma_wait3A_33, %dma_wait3A_34] : memref<100000x1024xf32, #tpu.memory_space<hbm>> -> memref<100000x1024xf32, #tpu.memory_space<hbm>>
    tpu.wait_indirect_dma semaphore(%arg9 : memref<!tpu.dma_semaphore, #tpu.memory_space<semaphore_mem>>) src(%dma_wait3A_35 : memref<100000x1024xf32, #tpu.memory_space<hbm>>) dst(%arg6 : memref<32x1024xf32, #tpu.memory_space<vmem>>)
    %dma_start3A_36 = arith.constant 0 : i32
    %dma_start3A_37 = tpu.memref_reshape %arg4 : memref<2048x4x1024xf32, #tpu.memory_space<hbm>> -> memref<32x64x4x1024xf32, #tpu.memory_space<hbm>>
    %dma_start3A_38 = arith.constant 0 : i32
    %dma_start3A_39 = arith.constant 0 : i32
    %dma_start3A_40 = tpu.memref_slice %dma_start3A_37[%add3A, %dma_start3A_38, %dma_start3A_36, %dma_start3A_39] : memref<32x64x4x1024xf32, #tpu.memory_space<hbm>> -> memref<1x32x1x1024xf32, #tpu.memory_space<hbm>>
    %dma_start3A_41 = tpu.memref_squeeze %dma_start3A_40 : memref<1x32x1x1024xf32, #tpu.memory_space<hbm>> -> memref<32x1024xf32, #tpu.memory_space<hbm>>
    %dma_start3A_42 = tpu.memref_reshape %arg4 : memref<2048x4x1024xf32, #tpu.memory_space<hbm>> -> memref<32x64x4x1024xf32, #tpu.memory_space<hbm>>
    %dma_start3A_43 = arith.constant 0 : i32
    %dma_start3A_44 = arith.constant 0 : i32
    %dma_start3A_45 = tpu.memref_slice %dma_start3A_42[%add3A, %dma_start3A_43, %dma_start3A_36, %dma_start3A_44] : memref<32x64x4x1024xf32, #tpu.memory_space<hbm>> -> memref<1x32x1x1024xf32, #tpu.memory_space<hbm>>
    %dma_start3A_46 = tpu.memref_squeeze %dma_start3A_45 : memref<1x32x1x1024xf32, #tpu.memory_space<hbm>> -> memref<32x1024xf32, #tpu.memory_space<hbm>>
    tpu.enqueue_dma source(%arg6 : memref<32x1024xf32, #tpu.memory_space<vmem>>) target(%dma_start3A_46 : memref<32x1024xf32, #tpu.memory_space<hbm>>) target_semaphore(%arg12 : memref<!tpu.dma_semaphore, #tpu.memory_space<semaphore_mem>>)
    %dma_wait3A_47 = arith.constant 0 : i32
    %dma_wait3A_48 = arith.constant 32 : i32
    %dma_wait3A_49 = tpu.memref_slice %arg5[%dma_wait3A_47, %dma_wait3A_48] : memref<4x64xi32, #tpu.memory_space<vmem>> -> memref<1x32xi32, #tpu.memory_space<vmem>>
    %dma_wait3A_50 = tpu.memref_squeeze %dma_wait3A_49 : memref<1x32xi32, #tpu.memory_space<vmem>> -> memref<32xi32, #tpu.memory_space<vmem>>
    %dma_wait3A_51 = arith.constant 0 : i32
    %dma_wait3A_52 = arith.constant 0 : i32
    %dma_wait3A_53 = tpu.memref_slice %arg3[%dma_wait3A_51, %dma_wait3A_52] : memref<100000x1024xf32, #tpu.memory_space<hbm>> -> memref<100000x1024xf32, #tpu.memory_space<hbm>>
    tpu.wait_indirect_dma semaphore(%arg10 : memref<!tpu.dma_semaphore, #tpu.memory_space<semaphore_mem>>) src(%dma_wait3A_53 : memref<100000x1024xf32, #tpu.memory_space<hbm>>) dst(%arg7 : memref<32x1024xf32, #tpu.memory_space<vmem>>)
    %dma_start3A_54 = arith.constant 0 : i32
    %dma_start3A_55 = tpu.memref_reshape %arg4 : memref<2048x4x1024xf32, #tpu.memory_space<hbm>> -> memref<32x64x4x1024xf32, #tpu.memory_space<hbm>>
    %dma_start3A_56 = arith.constant 32 : i32
    %dma_start3A_57 = arith.constant 0 : i32
    %dma_start3A_58 = tpu.memref_slice %dma_start3A_55[%add3A, %dma_start3A_56, %dma_start3A_54, %dma_start3A_57] : memref<32x64x4x1024xf32, #tpu.memory_space<hbm>> -> memref<1x32x1x1024xf32, #tpu.memory_space<hbm>>
    %dma_start3A_59 = tpu.memref_squeeze %dma_start3A_58 : memref<1x32x1x1024xf32, #tpu.memory_space<hbm>> -> memref<32x1024xf32, #tpu.memory_space<hbm>>
    %dma_start3A_60 = tpu.memref_reshape %arg4 : memref<2048x4x1024xf32, #tpu.memory_space<hbm>> -> memref<32x64x4x1024xf32, #tpu.memory_space<hbm>>
    %dma_start3A_61 = arith.constant 32 : i32
    %dma_start3A_62 = arith.constant 0 : i32
    %dma_start3A_63 = tpu.memref_slice %dma_start3A_60[%add3A, %dma_start3A_61, %dma_start3A_54, %dma_start3A_62] : memref<32x64x4x1024xf32, #tpu.memory_space<hbm>> -> memref<1x32x1x1024xf32, #tpu.memory_space<hbm>>
    %dma_start3A_64 = tpu.memref_squeeze %dma_start3A_63 : memref<1x32x1x1024xf32, #tpu.memory_space<hbm>> -> memref<32x1024xf32, #tpu.memory_space<hbm>>
    tpu.enqueue_dma source(%arg7 : memref<32x1024xf32, #tpu.memory_space<vmem>>) target(%dma_start3A_64 : memref<32x1024xf32, #tpu.memory_space<hbm>>) target_semaphore(%arg13 : memref<!tpu.dma_semaphore, #tpu.memory_space<semaphore_mem>>)
    %dma_wait3A_65 = arith.constant 0 : i32
    %dma_wait3A_66 = tpu.memref_reshape %arg4 : memref<2048x4x1024xf32, #tpu.memory_space<hbm>> -> memref<32x64x4x1024xf32, #tpu.memory_space<hbm>>
    %dma_wait3A_67 = arith.constant 0 : i32
    %dma_wait3A_68 = arith.constant 0 : i32
    %dma_wait3A_69 = tpu.memref_slice %dma_wait3A_66[%add3A, %dma_wait3A_67, %dma_wait3A_65, %dma_wait3A_68] : memref<32x64x4x1024xf32, #tpu.memory_space<hbm>> -> memref<1x32x1x1024xf32, #tpu.memory_space<hbm>>
    %dma_wait3A_70 = tpu.memref_squeeze %dma_wait3A_69 : memref<1x32x1x1024xf32, #tpu.memory_space<hbm>> -> memref<32x1024xf32, #tpu.memory_space<hbm>>
    %dma_wait3A_71 = tpu.memref_reshape %arg4 : memref<2048x4x1024xf32, #tpu.memory_space<hbm>> -> memref<32x64x4x1024xf32, #tpu.memory_space<hbm>>
    %dma_wait3A_72 = arith.constant 0 : i32
    %dma_wait3A_73 = arith.constant 0 : i32
    %dma_wait3A_74 = tpu.memref_slice %dma_wait3A_71[%add3A, %dma_wait3A_72, %dma_wait3A_65, %dma_wait3A_73] : memref<32x64x4x1024xf32, #tpu.memory_space<hbm>> -> memref<1x32x1x1024xf32, #tpu.memory_space<hbm>>
    %dma_wait3A_75 = tpu.memref_squeeze %dma_wait3A_74 : memref<1x32x1x1024xf32, #tpu.memory_space<hbm>> -> memref<32x1024xf32, #tpu.memory_space<hbm>>
    tpu.wait_dma2 semaphore(%arg12 : memref<!tpu.dma_semaphore, #tpu.memory_space<semaphore_mem>>) src(%arg6 : memref<32x1024xf32, #tpu.memory_space<vmem>>) dst(%dma_wait3A_75 : memref<32x1024xf32, #tpu.memory_space<hbm>>)
    %dma_start3A_76 = arith.constant 1 : i32
    %dma_start3A_77 = arith.constant 32 : i32
    %dma_start3A_78 = tpu.memref_slice %arg5[%dma_start3A_76, %dma_start3A_77] : memref<4x64xi32, #tpu.memory_space<vmem>> -> memref<1x32xi32, #tpu.memory_space<vmem>>
    %dma_start3A_79 = tpu.memref_squeeze %dma_start3A_78 : memref<1x32xi32, #tpu.memory_space<vmem>> -> memref<32xi32, #tpu.memory_space<vmem>>
    %dma_start3A_80 = arith.constant 0 : i32
    %dma_start3A_81 = arith.constant 0 : i32
    %dma_start3A_82 = tpu.memref_slice %arg3[%dma_start3A_80, %dma_start3A_81] : memref<100000x1024xf32, #tpu.memory_space<hbm>> -> memref<100000x1024xf32, #tpu.memory_space<hbm>>
    tpu.enqueue_indirect_dma source(%dma_start3A_82 : memref<100000x1024xf32, #tpu.memory_space<hbm>>) target(%arg6 : memref<32x1024xf32, #tpu.memory_space<vmem>>) offsets(%dma_start3A_79 : memref<32xi32, #tpu.memory_space<vmem>>) semaphore(%arg9 : memref<!tpu.dma_semaphore, #tpu.memory_space<semaphore_mem>>)
    %dma_wait3A_83 = arith.constant 1 : i32
    %dma_wait3A_84 = arith.constant 0 : i32
    %dma_wait3A_85 = tpu.memref_slice %arg5[%dma_wait3A_83, %dma_wait3A_84] : memref<4x64xi32, #tpu.memory_space<vmem>> -> memref<1x32xi32, #tpu.memory_space<vmem>>
    %dma_wait3A_86 = tpu.memref_squeeze %dma_wait3A_85 : memref<1x32xi32, #tpu.memory_space<vmem>> -> memref<32xi32, #tpu.memory_space<vmem>>
    %dma_wait3A_87 = arith.constant 0 : i32
    %dma_wait3A_88 = arith.constant 0 : i32
    %dma_wait3A_89 = tpu.memref_slice %arg3[%dma_wait3A_87, %dma_wait3A_88] : memref<100000x1024xf32, #tpu.memory_space<hbm>> -> memref<100000x1024xf32, #tpu.memory_space<hbm>>
    tpu.wait_indirect_dma semaphore(%arg11 : memref<!tpu.dma_semaphore, #tpu.memory_space<semaphore_mem>>) src(%dma_wait3A_89 : memref<100000x1024xf32, #tpu.memory_space<hbm>>) dst(%arg8 : memref<32x1024xf32, #tpu.memory_space<vmem>>)
    %dma_start3A_90 = arith.constant 1 : i32
    %dma_start3A_91 = tpu.memref_reshape %arg4 : memref<2048x4x1024xf32, #tpu.memory_space<hbm>> -> memref<32x64x4x1024xf32, #tpu.memory_space<hbm>>
    %dma_start3A_92 = arith.constant 0 : i32
    %dma_start3A_93 = arith.constant 0 : i32
    %dma_start3A_94 = tpu.memref_slice %dma_start3A_91[%add3A, %dma_start3A_92, %dma_start3A_90, %dma_start3A_93] : memref<32x64x4x1024xf32, #tpu.memory_space<hbm>> -> memref<1x32x1x1024xf32, #tpu.memory_space<hbm>>
    %dma_start3A_95 = tpu.memref_squeeze %dma_start3A_94 : memref<1x32x1x1024xf32, #tpu.memory_space<hbm>> -> memref<32x1024xf32, #tpu.memory_space<hbm>>
    %dma_start3A_96 = tpu.memref_reshape %arg4 : memref<2048x4x1024xf32, #tpu.memory_space<hbm>> -> memref<32x64x4x1024xf32, #tpu.memory_space<hbm>>
    %dma_start3A_97 = arith.constant 0 : i32
    %dma_start3A_98 = arith.constant 0 : i32
    %dma_start3A_99 = tpu.memref_slice %dma_start3A_96[%add3A, %dma_start3A_97, %dma_start3A_90, %dma_start3A_98] : memref<32x64x4x1024xf32, #tpu.memory_space<hbm>> -> memref<1x32x1x1024xf32, #tpu.memory_space<hbm>>
    %dma_start3A_100 = tpu.memref_squeeze %dma_start3A_99 : memref<1x32x1x1024xf32, #tpu.memory_space<hbm>> -> memref<32x1024xf32, #tpu.memory_space<hbm>>
    tpu.enqueue_dma source(%arg8 : memref<32x1024xf32, #tpu.memory_space<vmem>>) target(%dma_start3A_100 : memref<32x1024xf32, #tpu.memory_space<hbm>>) target_semaphore(%arg14 : memref<!tpu.dma_semaphore, #tpu.memory_space<semaphore_mem>>)
    %dma_wait3A_101 = arith.constant 0 : i32
    %dma_wait3A_102 = tpu.memref_reshape %arg4 : memref<2048x4x1024xf32, #tpu.memory_space<hbm>> -> memref<32x64x4x1024xf32, #tpu.memory_space<hbm>>
    %dma_wait3A_103 = arith.constant 32 : i32
    %dma_wait3A_104 = arith.constant 0 : i32
    %dma_wait3A_105 = tpu.memref_slice %dma_wait3A_102[%add3A, %dma_wait3A_103, %dma_wait3A_101, %dma_wait3A_104] : memref<32x64x4x1024xf32, #tpu.memory_space<hbm>> -> memref<1x32x1x1024xf32, #tpu.memory_space<hbm>>
    %dma_wait3A_106 = tpu.memref_squeeze %dma_wait3A_105 : memref<1x32x1x1024xf32, #tpu.memory_space<hbm>> -> memref<32x1024xf32, #tpu.memory_space<hbm>>
    %dma_wait3A_107 = tpu.memref_reshape %arg4 : memref<2048x4x1024xf32, #tpu.memory_space<hbm>> -> memref<32x64x4x1024xf32, #tpu.memory_space<hbm>>
    %dma_wait3A_108 = arith.constant 32 : i32
    %dma_wait3A_109 = arith.constant 0 : i32
    %dma_wait3A_110 = tpu.memref_slice %dma_wait3A_107[%add3A, %dma_wait3A_108, %dma_wait3A_101, %dma_wait3A_109] : memref<32x64x4x1024xf32, #tpu.memory_space<hbm>> -> memref<1x32x1x1024xf32, #tpu.memory_space<hbm>>
    %dma_wait3A_111 = tpu.memref_squeeze %dma_wait3A_110 : memref<1x32x1x1024xf32, #tpu.memory_space<hbm>> -> memref<32x1024xf32, #tpu.memory_space<hbm>>
    tpu.wait_dma2 semaphore(%arg13 : memref<!tpu.dma_semaphore, #tpu.memory_space<semaphore_mem>>) src(%arg7 : memref<32x1024xf32, #tpu.memory_space<vmem>>) dst(%dma_wait3A_111 : memref<32x1024xf32, #tpu.memory_space<hbm>>)
    %dma_start3A_112 = arith.constant 2 : i32
    %dma_start3A_113 = arith.constant 0 : i32
    %dma_start3A_114 = tpu.memref_slice %arg5[%dma_start3A_112, %dma_start3A_113] : memref<4x64xi32, #tpu.memory_space<vmem>> -> memref<1x32xi32, #tpu.memory_space<vmem>>
    %dma_start3A_115 = tpu.memref_squeeze %dma_start3A_114 : memref<1x32xi32, #tpu.memory_space<vmem>> -> memref<32xi32, #tpu.memory_space<vmem>>
    %dma_start3A_116 = arith.constant 0 : i32
    %dma_start3A_117 = arith.constant 0 : i32
    %dma_start3A_118 = tpu.memref_slice %arg3[%dma_start3A_116, %dma_start3A_117] : memref<100000x1024xf32, #tpu.memory_space<hbm>> -> memref<100000x1024xf32, #tpu.memory_space<hbm>>
    tpu.enqueue_indirect_dma source(%dma_start3A_118 : memref<100000x1024xf32, #tpu.memory_space<hbm>>) target(%arg7 : memref<32x1024xf32, #tpu.memory_space<vmem>>) offsets(%dma_start3A_115 : memref<32xi32, #tpu.memory_space<vmem>>) semaphore(%arg10 : memref<!tpu.dma_semaphore, #tpu.memory_space<semaphore_mem>>)
    %dma_wait3A_119 = arith.constant 1 : i32
    %dma_wait3A_120 = arith.constant 32 : i32
    %dma_wait3A_121 = tpu.memref_slice %arg5[%dma_wait3A_119, %dma_wait3A_120] : memref<4x64xi32, #tpu.memory_space<vmem>> -> memref<1x32xi32, #tpu.memory_space<vmem>>
    %dma_wait3A_122 = tpu.memref_squeeze %dma_wait3A_121 : memref<1x32xi32, #tpu.memory_space<vmem>> -> memref<32xi32, #tpu.memory_space<vmem>>
    %dma_wait3A_123 = arith.constant 0 : i32
    %dma_wait3A_124 = arith.constant 0 : i32
    %dma_wait3A_125 = tpu.memref_slice %arg3[%dma_wait3A_123, %dma_wait3A_124] : memref<100000x1024xf32, #tpu.memory_space<hbm>> -> memref<100000x1024xf32, #tpu.memory_space<hbm>>
    tpu.wait_indirect_dma semaphore(%arg9 : memref<!tpu.dma_semaphore, #tpu.memory_space<semaphore_mem>>) src(%dma_wait3A_125 : memref<100000x1024xf32, #tpu.memory_space<hbm>>) dst(%arg6 : memref<32x1024xf32, #tpu.memory_space<vmem>>)
    %dma_start3A_126 = arith.constant 1 : i32
    %dma_start3A_127 = tpu.memref_reshape %arg4 : memref<2048x4x1024xf32, #tpu.memory_space<hbm>> -> memref<32x64x4x1024xf32, #tpu.memory_space<hbm>>
    %dma_start3A_128 = arith.constant 32 : i32
    %dma_start3A_129 = arith.constant 0 : i32
    %dma_start3A_130 = tpu.memref_slice %dma_start3A_127[%add3A, %dma_start3A_128, %dma_start3A_126, %dma_start3A_129] : memref<32x64x4x1024xf32, #tpu.memory_space<hbm>> -> memref<1x32x1x1024xf32, #tpu.memory_space<hbm>>
    %dma_start3A_131 = tpu.memref_squeeze %dma_start3A_130 : memref<1x32x1x1024xf32, #tpu.memory_space<hbm>> -> memref<32x1024xf32, #tpu.memory_space<hbm>>
    %dma_start3A_132 = tpu.memref_reshape %arg4 : memref<2048x4x1024xf32, #tpu.memory_space<hbm>> -> memref<32x64x4x1024xf32, #tpu.memory_space<hbm>>
    %dma_start3A_133 = arith.constant 32 : i32
    %dma_start3A_134 = arith.constant 0 : i32
    %dma_start3A_135 = tpu.memref_slice %dma_start3A_132[%add3A, %dma_start3A_133, %dma_start3A_126, %dma_start3A_134] : memref<32x64x4x1024xf32, #tpu.memory_space<hbm>> -> memref<1x32x1x1024xf32, #tpu.memory_space<hbm>>
    %dma_start3A_136 = tpu.memref_squeeze %dma_start3A_135 : memref<1x32x1x1024xf32, #tpu.memory_space<hbm>> -> memref<32x1024xf32, #tpu.memory_space<hbm>>
    tpu.enqueue_dma source(%arg6 : memref<32x1024xf32, #tpu.memory_space<vmem>>) target(%dma_start3A_136 : memref<32x1024xf32, #tpu.memory_space<hbm>>) target_semaphore(%arg12 : memref<!tpu.dma_semaphore, #tpu.memory_space<semaphore_mem>>)
    %dma_wait3A_137 = arith.constant 1 : i32
    %dma_wait3A_138 = tpu.memref_reshape %arg4 : memref<2048x4x1024xf32, #tpu.memory_space<hbm>> -> memref<32x64x4x1024xf32, #tpu.memory_space<hbm>>
    %dma_wait3A_139 = arith.constant 0 : i32
    %dma_wait3A_140 = arith.constant 0 : i32
    %dma_wait3A_141 = tpu.memref_slice %dma_wait3A_138[%add3A, %dma_wait3A_139, %dma_wait3A_137, %dma_wait3A_140] : memref<32x64x4x1024xf32, #tpu.memory_space<hbm>> -> memref<1x32x1x1024xf32, #tpu.memory_space<hbm>>
    %dma_wait3A_142 = tpu.memref_squeeze %dma_wait3A_141 : memref<1x32x1x1024xf32, #tpu.memory_space<hbm>> -> memref<32x1024xf32, #tpu.memory_space<hbm>>
    %dma_wait3A_143 = tpu.memref_reshape %arg4 : memref<2048x4x1024xf32, #tpu.memory_space<hbm>> -> memref<32x64x4x1024xf32, #tpu.memory_space<hbm>>
    %dma_wait3A_144 = arith.constant 0 : i32
    %dma_wait3A_145 = arith.constant 0 : i32
    %dma_wait3A_146 = tpu.memref_slice %dma_wait3A_143[%add3A, %dma_wait3A_144, %dma_wait3A_137, %dma_wait3A_145] : memref<32x64x4x1024xf32, #tpu.memory_space<hbm>> -> memref<1x32x1x1024xf32, #tpu.memory_space<hbm>>
    %dma_wait3A_147 = tpu.memref_squeeze %dma_wait3A_146 : memref<1x32x1x1024xf32, #tpu.memory_space<hbm>> -> memref<32x1024xf32, #tpu.memory_space<hbm>>
    tpu.wait_dma2 semaphore(%arg14 : memref<!tpu.dma_semaphore, #tpu.memory_space<semaphore_mem>>) src(%arg8 : memref<32x1024xf32, #tpu.memory_space<vmem>>) dst(%dma_wait3A_147 : memref<32x1024xf32, #tpu.memory_space<hbm>>)
    %dma_start3A_148 = arith.constant 2 : i32
    %dma_start3A_149 = arith.constant 32 : i32
    %dma_start3A_150 = tpu.memref_slice %arg5[%dma_start3A_148, %dma_start3A_149] : memref<4x64xi32, #tpu.memory_space<vmem>> -> memref<1x32xi32, #tpu.memory_space<vmem>>
    %dma_start3A_151 = tpu.memref_squeeze %dma_start3A_150 : memref<1x32xi32, #tpu.memory_space<vmem>> -> memref<32xi32, #tpu.memory_space<vmem>>
    %dma_start3A_152 = arith.constant 0 : i32
    %dma_start3A_153 = arith.constant 0 : i32
    %dma_start3A_154 = tpu.memref_slice %arg3[%dma_start3A_152, %dma_start3A_153] : memref<100000x1024xf32, #tpu.memory_space<hbm>> -> memref<100000x1024xf32, #tpu.memory_space<hbm>>
    tpu.enqueue_indirect_dma source(%dma_start3A_154 : memref<100000x1024xf32, #tpu.memory_space<hbm>>) target(%arg8 : memref<32x1024xf32, #tpu.memory_space<vmem>>) offsets(%dma_start3A_151 : memref<32xi32, #tpu.memory_space<vmem>>) semaphore(%arg11 : memref<!tpu.dma_semaphore, #tpu.memory_space<semaphore_mem>>)
    %dma_wait3A_155 = arith.constant 2 : i32
    %dma_wait3A_156 = arith.constant 0 : i32
    %dma_wait3A_157 = tpu.memref_slice %arg5[%dma_wait3A_155, %dma_wait3A_156] : memref<4x64xi32, #tpu.memory_space<vmem>> -> memref<1x32xi32, #tpu.memory_space<vmem>>
    %dma_wait3A_158 = tpu.memref_squeeze %dma_wait3A_157 : memref<1x32xi32, #tpu.memory_space<vmem>> -> memref<32xi32, #tpu.memory_space<vmem>>
    %dma_wait3A_159 = arith.constant 0 : i32
    %dma_wait3A_160 = arith.constant 0 : i32
    %dma_wait3A_161 = tpu.memref_slice %arg3[%dma_wait3A_159, %dma_wait3A_160] : memref<100000x1024xf32, #tpu.memory_space<hbm>> -> memref<100000x1024xf32, #tpu.memory_space<hbm>>
    tpu.wait_indirect_dma semaphore(%arg10 : memref<!tpu.dma_semaphore, #tpu.memory_space<semaphore_mem>>) src(%dma_wait3A_161 : memref<100000x1024xf32, #tpu.memory_space<hbm>>) dst(%arg7 : memref<32x1024xf32, #tpu.memory_space<vmem>>)
    %dma_start3A_162 = arith.constant 2 : i32
    %dma_start3A_163 = tpu.memref_reshape %arg4 : memref<2048x4x1024xf32, #tpu.memory_space<hbm>> -> memref<32x64x4x1024xf32, #tpu.memory_space<hbm>>
    %dma_start3A_164 = arith.constant 0 : i32
    %dma_start3A_165 = arith.constant 0 : i32
    %dma_start3A_166 = tpu.memref_slice %dma_start3A_163[%add3A, %dma_start3A_164, %dma_start3A_162, %dma_start3A_165] : memref<32x64x4x1024xf32, #tpu.memory_space<hbm>> -> memref<1x32x1x1024xf32, #tpu.memory_space<hbm>>
    %dma_start3A_167 = tpu.memref_squeeze %dma_start3A_166 : memref<1x32x1x1024xf32, #tpu.memory_space<hbm>> -> memref<32x1024xf32, #tpu.memory_space<hbm>>
    %dma_start3A_168 = tpu.memref_reshape %arg4 : memref<2048x4x1024xf32, #tpu.memory_space<hbm>> -> memref<32x64x4x1024xf32, #tpu.memory_space<hbm>>
    %dma_start3A_169 = arith.constant 0 : i32
    %dma_start3A_170 = arith.constant 0 : i32
    %dma_start3A_171 = tpu.memref_slice %dma_start3A_168[%add3A, %dma_start3A_169, %dma_start3A_162, %dma_start3A_170] : memref<32x64x4x1024xf32, #tpu.memory_space<hbm>> -> memref<1x32x1x1024xf32, #tpu.memory_space<hbm>>
    %dma_start3A_172 = tpu.memref_squeeze %dma_start3A_171 : memref<1x32x1x1024xf32, #tpu.memory_space<hbm>> -> memref<32x1024xf32, #tpu.memory_space<hbm>>
    tpu.enqueue_dma source(%arg7 : memref<32x1024xf32, #tpu.memory_space<vmem>>) target(%dma_start3A_172 : memref<32x1024xf32, #tpu.memory_space<hbm>>) target_semaphore(%arg13 : memref<!tpu.dma_semaphore, #tpu.memory_space<semaphore_mem>>)
    %dma_wait3A_173 = arith.constant 1 : i32
    %dma_wait3A_174 = tpu.memref_reshape %arg4 : memref<2048x4x1024xf32, #tpu.memory_space<hbm>> -> memref<32x64x4x1024xf32, #tpu.memory_space<hbm>>
    %dma_wait3A_175 = arith.constant 32 : i32
    %dma_wait3A_176 = arith.constant 0 : i32
    %dma_wait3A_177 = tpu.memref_slice %dma_wait3A_174[%add3A, %dma_wait3A_175, %dma_wait3A_173, %dma_wait3A_176] : memref<32x64x4x1024xf32, #tpu.memory_space<hbm>> -> memref<1x32x1x1024xf32, #tpu.memory_space<hbm>>
    %dma_wait3A_178 = tpu.memref_squeeze %dma_wait3A_177 : memref<1x32x1x1024xf32, #tpu.memory_space<hbm>> -> memref<32x1024xf32, #tpu.memory_space<hbm>>
    %dma_wait3A_179 = tpu.memref_reshape %arg4 : memref<2048x4x1024xf32, #tpu.memory_space<hbm>> -> memref<32x64x4x1024xf32, #tpu.memory_space<hbm>>
    %dma_wait3A_180 = arith.constant 32 : i32
    %dma_wait3A_181 = arith.constant 0 : i32
    %dma_wait3A_182 = tpu.memref_slice %dma_wait3A_179[%add3A, %dma_wait3A_180, %dma_wait3A_173, %dma_wait3A_181] : memref<32x64x4x1024xf32, #tpu.memory_space<hbm>> -> memref<1x32x1x1024xf32, #tpu.memory_space<hbm>>
    %dma_wait3A_183 = tpu.memref_squeeze %dma_wait3A_182 : memref<1x32x1x1024xf32, #tpu.memory_space<hbm>> -> memref<32x1024xf32, #tpu.memory_space<hbm>>
    tpu.wait_dma2 semaphore(%arg12 : memref<!tpu.dma_semaphore, #tpu.memory_space<semaphore_mem>>) src(%arg6 : memref<32x1024xf32, #tpu.memory_space<vmem>>) dst(%dma_wait3A_183 : memref<32x1024xf32, #tpu.memory_space<hbm>>)
    %dma_start3A_184 = arith.constant 3 : i32
    %dma_start3A_185 = arith.constant 0 : i32
    %dma_start3A_186 = tpu.memref_slice %arg5[%dma_start3A_184, %dma_start3A_185] : memref<4x64xi32, #tpu.memory_space<vmem>> -> memref<1x32xi32, #tpu.memory_space<vmem>>
    %dma_start3A_187 = tpu.memref_squeeze %dma_start3A_186 : memref<1x32xi32, #tpu.memory_space<vmem>> -> memref<32xi32, #tpu.memory_space<vmem>>
    %dma_start3A_188 = arith.constant 0 : i32
    %dma_start3A_189 = arith.constant 0 : i32
    %dma_start3A_190 = tpu.memref_slice %arg3[%dma_start3A_188, %dma_start3A_189] : memref<100000x1024xf32, #tpu.memory_space<hbm>> -> memref<100000x1024xf32, #tpu.memory_space<hbm>>
    tpu.enqueue_indirect_dma source(%dma_start3A_190 : memref<100000x1024xf32, #tpu.memory_space<hbm>>) target(%arg6 : memref<32x1024xf32, #tpu.memory_space<vmem>>) offsets(%dma_start3A_187 : memref<32xi32, #tpu.memory_space<vmem>>) semaphore(%arg9 : memref<!tpu.dma_semaphore, #tpu.memory_space<semaphore_mem>>)
    %dma_wait3A_191 = arith.constant 2 : i32
    %dma_wait3A_192 = arith.constant 32 : i32
    %dma_wait3A_193 = tpu.memref_slice %arg5[%dma_wait3A_191, %dma_wait3A_192] : memref<4x64xi32, #tpu.memory_space<vmem>> -> memref<1x32xi32, #tpu.memory_space<vmem>>
    %dma_wait3A_194 = tpu.memref_squeeze %dma_wait3A_193 : memref<1x32xi32, #tpu.memory_space<vmem>> -> memref<32xi32, #tpu.memory_space<vmem>>
    %dma_wait3A_195 = arith.constant 0 : i32
    %dma_wait3A_196 = arith.constant 0 : i32
    %dma_wait3A_197 = tpu.memref_slice %arg3[%dma_wait3A_195, %dma_wait3A_196] : memref<100000x1024xf32, #tpu.memory_space<hbm>> -> memref<100000x1024xf32, #tpu.memory_space<hbm>>
    tpu.wait_indirect_dma semaphore(%arg11 : memref<!tpu.dma_semaphore, #tpu.memory_space<semaphore_mem>>) src(%dma_wait3A_197 : memref<100000x1024xf32, #tpu.memory_space<hbm>>) dst(%arg8 : memref<32x1024xf32, #tpu.memory_space<vmem>>)
    %dma_start3A_198 = arith.constant 2 : i32
    %dma_start3A_199 = tpu.memref_reshape %arg4 : memref<2048x4x1024xf32, #tpu.memory_space<hbm>> -> memref<32x64x4x1024xf32, #tpu.memory_space<hbm>>
    %dma_start3A_200 = arith.constant 32 : i32
    %dma_start3A_201 = arith.constant 0 : i32
    %dma_start3A_202 = tpu.memref_slice %dma_start3A_199[%add3A, %dma_start3A_200, %dma_start3A_198, %dma_start3A_201] : memref<32x64x4x1024xf32, #tpu.memory_space<hbm>> -> memref<1x32x1x1024xf32, #tpu.memory_space<hbm>>
    %dma_start3A_203 = tpu.memref_squeeze %dma_start3A_202 : memref<1x32x1x1024xf32, #tpu.memory_space<hbm>> -> memref<32x1024xf32, #tpu.memory_space<hbm>>
    %dma_start3A_204 = tpu.memref_reshape %arg4 : memref<2048x4x1024xf32, #tpu.memory_space<hbm>> -> memref<32x64x4x1024xf32, #tpu.memory_space<hbm>>
    %dma_start3A_205 = arith.constant 32 : i32
    %dma_start3A_206 = arith.constant 0 : i32
    %dma_start3A_207 = tpu.memref_slice %dma_start3A_204[%add3A, %dma_start3A_205, %dma_start3A_198, %dma_start3A_206] : memref<32x64x4x1024xf32, #tpu.memory_space<hbm>> -> memref<1x32x1x1024xf32, #tpu.memory_space<hbm>>
    %dma_start3A_208 = tpu.memref_squeeze %dma_start3A_207 : memref<1x32x1x1024xf32, #tpu.memory_space<hbm>> -> memref<32x1024xf32, #tpu.memory_space<hbm>>
    tpu.enqueue_dma source(%arg8 : memref<32x1024xf32, #tpu.memory_space<vmem>>) target(%dma_start3A_208 : memref<32x1024xf32, #tpu.memory_space<hbm>>) target_semaphore(%arg14 : memref<!tpu.dma_semaphore, #tpu.memory_space<semaphore_mem>>)
    %dma_wait3A_209 = arith.constant 2 : i32
    %dma_wait3A_210 = tpu.memref_reshape %arg4 : memref<2048x4x1024xf32, #tpu.memory_space<hbm>> -> memref<32x64x4x1024xf32, #tpu.memory_space<hbm>>
    %dma_wait3A_211 = arith.constant 0 : i32
    %dma_wait3A_212 = arith.constant 0 : i32
    %dma_wait3A_213 = tpu.memref_slice %dma_wait3A_210[%add3A, %dma_wait3A_211, %dma_wait3A_209, %dma_wait3A_212] : memref<32x64x4x1024xf32, #tpu.memory_space<hbm>> -> memref<1x32x1x1024xf32, #tpu.memory_space<hbm>>
    %dma_wait3A_214 = tpu.memref_squeeze %dma_wait3A_213 : memref<1x32x1x1024xf32, #tpu.memory_space<hbm>> -> memref<32x1024xf32, #tpu.memory_space<hbm>>
    %dma_wait3A_215 = tpu.memref_reshape %arg4 : memref<2048x4x1024xf32, #tpu.memory_space<hbm>> -> memref<32x64x4x1024xf32, #tpu.memory_space<hbm>>
    %dma_wait3A_216 = arith.constant 0 : i32
    %dma_wait3A_217 = arith.constant 0 : i32
    %dma_wait3A_218 = tpu.memref_slice %dma_wait3A_215[%add3A, %dma_wait3A_216, %dma_wait3A_209, %dma_wait3A_217] : memref<32x64x4x1024xf32, #tpu.memory_space<hbm>> -> memref<1x32x1x1024xf32, #tpu.memory_space<hbm>>
    %dma_wait3A_219 = tpu.memref_squeeze %dma_wait3A_218 : memref<1x32x1x1024xf32, #tpu.memory_space<hbm>> -> memref<32x1024xf32, #tpu.memory_space<hbm>>
    tpu.wait_dma2 semaphore(%arg13 : memref<!tpu.dma_semaphore, #tpu.memory_space<semaphore_mem>>) src(%arg7 : memref<32x1024xf32, #tpu.memory_space<vmem>>) dst(%dma_wait3A_219 : memref<32x1024xf32, #tpu.memory_space<hbm>>)
    %dma_start3A_220 = arith.constant 3 : i32
    %dma_start3A_221 = arith.constant 32 : i32
    %dma_start3A_222 = tpu.memref_slice %arg5[%dma_start3A_220, %dma_start3A_221] : memref<4x64xi32, #tpu.memory_space<vmem>> -> memref<1x32xi32, #tpu.memory_space<vmem>>
    %dma_start3A_223 = tpu.memref_squeeze %dma_start3A_222 : memref<1x32xi32, #tpu.memory_space<vmem>> -> memref<32xi32, #tpu.memory_space<vmem>>
    %dma_start3A_224 = arith.constant 0 : i32
    %dma_start3A_225 = arith.constant 0 : i32
    %dma_start3A_226 = tpu.memref_slice %arg3[%dma_start3A_224, %dma_start3A_225] : memref<100000x1024xf32, #tpu.memory_space<hbm>> -> memref<100000x1024xf32, #tpu.memory_space<hbm>>
    tpu.enqueue_indirect_dma source(%dma_start3A_226 : memref<100000x1024xf32, #tpu.memory_space<hbm>>) target(%arg7 : memref<32x1024xf32, #tpu.memory_space<vmem>>) offsets(%dma_start3A_223 : memref<32xi32, #tpu.memory_space<vmem>>) semaphore(%arg10 : memref<!tpu.dma_semaphore, #tpu.memory_space<semaphore_mem>>)
    %dma_wait3A_227 = arith.constant 3 : i32
    %dma_wait3A_228 = arith.constant 0 : i32
    %dma_wait3A_229 = tpu.memref_slice %arg5[%dma_wait3A_227, %dma_wait3A_228] : memref<4x64xi32, #tpu.memory_space<vmem>> -> memref<1x32xi32, #tpu.memory_space<vmem>>
    %dma_wait3A_230 = tpu.memref_squeeze %dma_wait3A_229 : memref<1x32xi32, #tpu.memory_space<vmem>> -> memref<32xi32, #tpu.memory_space<vmem>>
    %dma_wait3A_231 = arith.constant 0 : i32
    %dma_wait3A_232 = arith.constant 0 : i32
    %dma_wait3A_233 = tpu.memref_slice %arg3[%dma_wait3A_231, %dma_wait3A_232] : memref<100000x1024xf32, #tpu.memory_space<hbm>> -> memref<100000x1024xf32, #tpu.memory_space<hbm>>
    tpu.wait_indirect_dma semaphore(%arg9 : memref<!tpu.dma_semaphore, #tpu.memory_space<semaphore_mem>>) src(%dma_wait3A_233 : memref<100000x1024xf32, #tpu.memory_space<hbm>>) dst(%arg6 : memref<32x1024xf32, #tpu.memory_space<vmem>>)
    %dma_start3A_234 = arith.constant 3 : i32
    %dma_start3A_235 = tpu.memref_reshape %arg4 : memref<2048x4x1024xf32, #tpu.memory_space<hbm>> -> memref<32x64x4x1024xf32, #tpu.memory_space<hbm>>
    %dma_start3A_236 = arith.constant 0 : i32
    %dma_start3A_237 = arith.constant 0 : i32
    %dma_start3A_238 = tpu.memref_slice %dma_start3A_235[%add3A, %dma_start3A_236, %dma_start3A_234, %dma_start3A_237] : memref<32x64x4x1024xf32, #tpu.memory_space<hbm>> -> memref<1x32x1x1024xf32, #tpu.memory_space<hbm>>
    %dma_start3A_239 = tpu.memref_squeeze %dma_start3A_238 : memref<1x32x1x1024xf32, #tpu.memory_space<hbm>> -> memref<32x1024xf32, #tpu.memory_space<hbm>>
    %dma_start3A_240 = tpu.memref_reshape %arg4 : memref<2048x4x1024xf32, #tpu.memory_space<hbm>> -> memref<32x64x4x1024xf32, #tpu.memory_space<hbm>>
    %dma_start3A_241 = arith.constant 0 : i32
    %dma_start3A_242 = arith.constant 0 : i32
    %dma_start3A_243 = tpu.memref_slice %dma_start3A_240[%add3A, %dma_start3A_241, %dma_start3A_234, %dma_start3A_242] : memref<32x64x4x1024xf32, #tpu.memory_space<hbm>> -> memref<1x32x1x1024xf32, #tpu.memory_space<hbm>>
    %dma_start3A_244 = tpu.memref_squeeze %dma_start3A_243 : memref<1x32x1x1024xf32, #tpu.memory_space<hbm>> -> memref<32x1024xf32, #tpu.memory_space<hbm>>
    tpu.enqueue_dma source(%arg6 : memref<32x1024xf32, #tpu.memory_space<vmem>>) target(%dma_start3A_244 : memref<32x1024xf32, #tpu.memory_space<hbm>>) target_semaphore(%arg12 : memref<!tpu.dma_semaphore, #tpu.memory_space<semaphore_mem>>)
    %dma_wait3A_245 = arith.constant 3 : i32
    %dma_wait3A_246 = arith.constant 32 : i32
    %dma_wait3A_247 = tpu.memref_slice %arg5[%dma_wait3A_245, %dma_wait3A_246] : memref<4x64xi32, #tpu.memory_space<vmem>> -> memref<1x32xi32, #tpu.memory_space<vmem>>
    %dma_wait3A_248 = tpu.memref_squeeze %dma_wait3A_247 : memref<1x32xi32, #tpu.memory_space<vmem>> -> memref<32xi32, #tpu.memory_space<vmem>>
    %dma_wait3A_249 = arith.constant 0 : i32
    %dma_wait3A_250 = arith.constant 0 : i32
    %dma_wait3A_251 = tpu.memref_slice %arg3[%dma_wait3A_249, %dma_wait3A_250] : memref<100000x1024xf32, #tpu.memory_space<hbm>> -> memref<100000x1024xf32, #tpu.memory_space<hbm>>
    tpu.wait_indirect_dma semaphore(%arg10 : memref<!tpu.dma_semaphore, #tpu.memory_space<semaphore_mem>>) src(%dma_wait3A_251 : memref<100000x1024xf32, #tpu.memory_space<hbm>>) dst(%arg7 : memref<32x1024xf32, #tpu.memory_space<vmem>>)
    %dma_start3A_252 = arith.constant 3 : i32
    %dma_start3A_253 = tpu.memref_reshape %arg4 : memref<2048x4x1024xf32, #tpu.memory_space<hbm>> -> memref<32x64x4x1024xf32, #tpu.memory_space<hbm>>
    %dma_start3A_254 = arith.constant 32 : i32
    %dma_start3A_255 = arith.constant 0 : i32
    %dma_start3A_256 = tpu.memref_slice %dma_start3A_253[%add3A, %dma_start3A_254, %dma_start3A_252, %dma_start3A_255] : memref<32x64x4x1024xf32, #tpu.memory_space<hbm>> -> memref<1x32x1x1024xf32, #tpu.memory_space<hbm>>
    %dma_start3A_257 = tpu.memref_squeeze %dma_start3A_256 : memref<1x32x1x1024xf32, #tpu.memory_space<hbm>> -> memref<32x1024xf32, #tpu.memory_space<hbm>>
    %dma_start3A_258 = tpu.memref_reshape %arg4 : memref<2048x4x1024xf32, #tpu.memory_space<hbm>> -> memref<32x64x4x1024xf32, #tpu.memory_space<hbm>>
    %dma_start3A_259 = arith.constant 32 : i32
    %dma_start3A_260 = arith.constant 0 : i32
    %dma_start3A_261 = tpu.memref_slice %dma_start3A_258[%add3A, %dma_start3A_259, %dma_start3A_252, %dma_start3A_260] : memref<32x64x4x1024xf32, #tpu.memory_space<hbm>> -> memref<1x32x1x1024xf32, #tpu.memory_space<hbm>>
    %dma_start3A_262 = tpu.memref_squeeze %dma_start3A_261 : memref<1x32x1x1024xf32, #tpu.memory_space<hbm>> -> memref<32x1024xf32, #tpu.memory_space<hbm>>
    tpu.enqueue_dma source(%arg7 : memref<32x1024xf32, #tpu.memory_space<vmem>>) target(%dma_start3A_262 : memref<32x1024xf32, #tpu.memory_space<hbm>>) target_semaphore(%arg13 : memref<!tpu.dma_semaphore, #tpu.memory_space<semaphore_mem>>)
    %dma_wait3A_263 = arith.constant 2 : i32
    %dma_wait3A_264 = tpu.memref_reshape %arg4 : memref<2048x4x1024xf32, #tpu.memory_space<hbm>> -> memref<32x64x4x1024xf32, #tpu.memory_space<hbm>>
    %dma_wait3A_265 = arith.constant 32 : i32
    %dma_wait3A_266 = arith.constant 0 : i32
    %dma_wait3A_267 = tpu.memref_slice %dma_wait3A_264[%add3A, %dma_wait3A_265, %dma_wait3A_263, %dma_wait3A_266] : memref<32x64x4x1024xf32, #tpu.memory_space<hbm>> -> memref<1x32x1x1024xf32, #tpu.memory_space<hbm>>
    %dma_wait3A_268 = tpu.memref_squeeze %dma_wait3A_267 : memref<1x32x1x1024xf32, #tpu.memory_space<hbm>> -> memref<32x1024xf32, #tpu.memory_space<hbm>>
    %dma_wait3A_269 = tpu.memref_reshape %arg4 : memref<2048x4x1024xf32, #tpu.memory_space<hbm>> -> memref<32x64x4x1024xf32, #tpu.memory_space<hbm>>
    %dma_wait3A_270 = arith.constant 32 : i32
    %dma_wait3A_271 = arith.constant 0 : i32
    %dma_wait3A_272 = tpu.memref_slice %dma_wait3A_269[%add3A, %dma_wait3A_270, %dma_wait3A_263, %dma_wait3A_271] : memref<32x64x4x1024xf32, #tpu.memory_space<hbm>> -> memref<1x32x1x1024xf32, #tpu.memory_space<hbm>>
    %dma_wait3A_273 = tpu.memref_squeeze %dma_wait3A_272 : memref<1x32x1x1024xf32, #tpu.memory_space<hbm>> -> memref<32x1024xf32, #tpu.memory_space<hbm>>
    tpu.wait_dma2 semaphore(%arg14 : memref<!tpu.dma_semaphore, #tpu.memory_space<semaphore_mem>>) src(%arg8 : memref<32x1024xf32, #tpu.memory_space<vmem>>) dst(%dma_wait3A_273 : memref<32x1024xf32, #tpu.memory_space<hbm>>)
    %dma_wait3A_274 = arith.constant 3 : i32
    %dma_wait3A_275 = tpu.memref_reshape %arg4 : memref<2048x4x1024xf32, #tpu.memory_space<hbm>> -> memref<32x64x4x1024xf32, #tpu.memory_space<hbm>>
    %dma_wait3A_276 = arith.constant 0 : i32
    %dma_wait3A_277 = arith.constant 0 : i32
    %dma_wait3A_278 = tpu.memref_slice %dma_wait3A_275[%add3A, %dma_wait3A_276, %dma_wait3A_274, %dma_wait3A_277] : memref<32x64x4x1024xf32, #tpu.memory_space<hbm>> -> memref<1x32x1x1024xf32, #tpu.memory_space<hbm>>
    %dma_wait3A_279 = tpu.memref_squeeze %dma_wait3A_278 : memref<1x32x1x1024xf32, #tpu.memory_space<hbm>> -> memref<32x1024xf32, #tpu.memory_space<hbm>>
    %dma_wait3A_280 = tpu.memref_reshape %arg4 : memref<2048x4x1024xf32, #tpu.memory_space<hbm>> -> memref<32x64x4x1024xf32, #tpu.memory_space<hbm>>
    %dma_wait3A_281 = arith.constant 0 : i32
    %dma_wait3A_282 = arith.constant 0 : i32
    %dma_wait3A_283 = tpu.memref_slice %dma_wait3A_280[%add3A, %dma_wait3A_281, %dma_wait3A_274, %dma_wait3A_282] : memref<32x64x4x1024xf32, #tpu.memory_space<hbm>> -> memref<1x32x1x1024xf32, #tpu.memory_space<hbm>>
    %dma_wait3A_284 = tpu.memref_squeeze %dma_wait3A_283 : memref<1x32x1x1024xf32, #tpu.memory_space<hbm>> -> memref<32x1024xf32, #tpu.memory_space<hbm>>
    tpu.wait_dma2 semaphore(%arg12 : memref<!tpu.dma_semaphore, #tpu.memory_space<semaphore_mem>>) src(%arg6 : memref<32x1024xf32, #tpu.memory_space<vmem>>) dst(%dma_wait3A_284 : memref<32x1024xf32, #tpu.memory_space<hbm>>)
    %dma_wait3A_285 = arith.constant 3 : i32
    %dma_wait3A_286 = tpu.memref_reshape %arg4 : memref<2048x4x1024xf32, #tpu.memory_space<hbm>> -> memref<32x64x4x1024xf32, #tpu.memory_space<hbm>>
    %dma_wait3A_287 = arith.constant 32 : i32
    %dma_wait3A_288 = arith.constant 0 : i32
    %dma_wait3A_289 = tpu.memref_slice %dma_wait3A_286[%add3A, %dma_wait3A_287, %dma_wait3A_285, %dma_wait3A_288] : memref<32x64x4x1024xf32, #tpu.memory_space<hbm>> -> memref<1x32x1x1024xf32, #tpu.memory_space<hbm>>
    %dma_wait3A_290 = tpu.memref_squeeze %dma_wait3A_289 : memref<1x32x1x1024xf32, #tpu.memory_space<hbm>> -> memref<32x1024xf32, #tpu.memory_space<hbm>>
    %dma_wait3A_291 = tpu.memref_reshape %arg4 : memref<2048x4x1024xf32, #tpu.memory_space<hbm>> -> memref<32x64x4x1024xf32, #tpu.memory_space<hbm>>
    %dma_wait3A_292 = arith.constant 32 : i32
    %dma_wait3A_293 = arith.constant 0 : i32
    %dma_wait3A_294 = tpu.memref_slice %dma_wait3A_291[%add3A, %dma_wait3A_292, %dma_wait3A_285, %dma_wait3A_293] : memref<32x64x4x1024xf32, #tpu.memory_space<hbm>> -> memref<1x32x1x1024xf32, #tpu.memory_space<hbm>>
    %dma_wait3A_295 = tpu.memref_squeeze %dma_wait3A_294 : memref<1x32x1x1024xf32, #tpu.memory_space<hbm>> -> memref<32x1024xf32, #tpu.memory_space<hbm>>
    tpu.wait_dma2 semaphore(%arg13 : memref<!tpu.dma_semaphore, #tpu.memory_space<semaphore_mem>>) src(%arg7 : memref<32x1024xf32, #tpu.memory_space<vmem>>) dst(%dma_wait3A_295 : memref<32x1024xf32, #tpu.memory_space<hbm>>)
    return
  }
}

module attributes {stable_mosaic.version = 14 : i64} {
  func.func @body(%arg0: memref<8192x1024xf32, #tpu.memory_space<any>>, %arg1: memref<8192x1024xf32, #tpu.memory_space<any>>, %arg2: memref<512x1024xf32, #tpu.memory_space<vmem>>, %arg3: memref<512x1024xf32, #tpu.memory_space<vmem>>, %arg4: memref<512x1024xf32, #tpu.memory_space<vmem>>, %arg5: memref<512x1024xf32, #tpu.memory_space<vmem>>, %arg6: memref<!tpu.dma_semaphore, #tpu.memory_space<semaphore_mem>>, %arg7: memref<!tpu.dma_semaphore, #tpu.memory_space<semaphore_mem>>, %arg8: memref<!tpu.dma_semaphore, #tpu.memory_space<semaphore_mem>>, %arg9: memref<!tpu.dma_semaphore, #tpu.memory_space<semaphore_mem>>, %arg10: memref<!tpu.dma_semaphore, #tpu.memory_space<semaphore_mem>>, %arg11: memref<!tpu.dma_semaphore, #tpu.memory_space<semaphore_mem>>, %arg12: memref<!tpu.dma_semaphore, #tpu.memory_space<semaphore_mem>>, %arg13: memref<!tpu.dma_semaphore, #tpu.memory_space<semaphore_mem>>) attributes {dimension_semantics = [], scalar_prefetch = 0 : i64, scratch_operands = 12 : i64, tpu.core_type = #tpu.core_type<tc>} {
    %dma_start3A = arith.constant 0 : i32
    %dma_start3A_0 = arith.constant 0 : i32
    %dma_start3A_1 = tpu.memref_slice %arg0[%dma_start3A, %dma_start3A_0] : memref<8192x1024xf32, #tpu.memory_space<any>> -> memref<512x1024xf32, #tpu.memory_space<any>>
    tpu.enqueue_dma source(%dma_start3A_1 : memref<512x1024xf32, #tpu.memory_space<any>>) target(%arg2 : memref<512x1024xf32, #tpu.memory_space<vmem>>) target_semaphore(%arg6 : memref<!tpu.dma_semaphore, #tpu.memory_space<semaphore_mem>>)
    %dma_start3A_2 = arith.constant 512 : i32
    %dma_start3A_3 = arith.constant 0 : i32
    %dma_start3A_4 = tpu.memref_slice %arg0[%dma_start3A_2, %dma_start3A_3] : memref<8192x1024xf32, #tpu.memory_space<any>> -> memref<512x1024xf32, #tpu.memory_space<any>>
    tpu.enqueue_dma source(%dma_start3A_4 : memref<512x1024xf32, #tpu.memory_space<any>>) target(%arg3 : memref<512x1024xf32, #tpu.memory_space<vmem>>) target_semaphore(%arg7 : memref<!tpu.dma_semaphore, #tpu.memory_space<semaphore_mem>>)
    %dma_start3A_5 = arith.constant 1024 : i32
    %dma_start3A_6 = arith.constant 0 : i32
    %dma_start3A_7 = tpu.memref_slice %arg0[%dma_start3A_5, %dma_start3A_6] : memref<8192x1024xf32, #tpu.memory_space<any>> -> memref<512x1024xf32, #tpu.memory_space<any>>
    tpu.enqueue_dma source(%dma_start3A_7 : memref<512x1024xf32, #tpu.memory_space<any>>) target(%arg4 : memref<512x1024xf32, #tpu.memory_space<vmem>>) target_semaphore(%arg8 : memref<!tpu.dma_semaphore, #tpu.memory_space<semaphore_mem>>)
    %dma_start3A_8 = arith.constant 1536 : i32
    %dma_start3A_9 = arith.constant 0 : i32
    %dma_start3A_10 = tpu.memref_slice %arg0[%dma_start3A_8, %dma_start3A_9] : memref<8192x1024xf32, #tpu.memory_space<any>> -> memref<512x1024xf32, #tpu.memory_space<any>>
    tpu.enqueue_dma source(%dma_start3A_10 : memref<512x1024xf32, #tpu.memory_space<any>>) target(%arg5 : memref<512x1024xf32, #tpu.memory_space<vmem>>) target_semaphore(%arg9 : memref<!tpu.dma_semaphore, #tpu.memory_space<semaphore_mem>>)
    %dma_wait3A = arith.constant 0 : i32
    %dma_wait3A_11 = arith.constant 0 : i32
    %dma_wait3A_12 = tpu.memref_slice %arg0[%dma_wait3A, %dma_wait3A_11] : memref<8192x1024xf32, #tpu.memory_space<any>> -> memref<512x1024xf32, #tpu.memory_space<any>>
    tpu.wait_dma2 semaphore(%arg6 : memref<!tpu.dma_semaphore, #tpu.memory_space<semaphore_mem>>) src(%dma_wait3A_12 : memref<512x1024xf32, #tpu.memory_space<any>>) dst(%arg2 : memref<512x1024xf32, #tpu.memory_space<vmem>>)
    %dma_start3A_13 = arith.constant 0 : i32
    %dma_start3A_14 = arith.constant 0 : i32
    %dma_start3A_15 = tpu.memref_slice %arg1[%dma_start3A_13, %dma_start3A_14] : memref<8192x1024xf32, #tpu.memory_space<any>> -> memref<512x1024xf32, #tpu.memory_space<any>>
    tpu.enqueue_dma source(%arg2 : memref<512x1024xf32, #tpu.memory_space<vmem>>) target(%dma_start3A_15 : memref<512x1024xf32, #tpu.memory_space<any>>) target_semaphore(%arg10 : memref<!tpu.dma_semaphore, #tpu.memory_space<semaphore_mem>>)
    %dma_wait3A_16 = arith.constant 512 : i32
    %dma_wait3A_17 = arith.constant 0 : i32
    %dma_wait3A_18 = tpu.memref_slice %arg0[%dma_wait3A_16, %dma_wait3A_17] : memref<8192x1024xf32, #tpu.memory_space<any>> -> memref<512x1024xf32, #tpu.memory_space<any>>
    tpu.wait_dma2 semaphore(%arg7 : memref<!tpu.dma_semaphore, #tpu.memory_space<semaphore_mem>>) src(%dma_wait3A_18 : memref<512x1024xf32, #tpu.memory_space<any>>) dst(%arg3 : memref<512x1024xf32, #tpu.memory_space<vmem>>)
    %dma_start3A_19 = arith.constant 512 : i32
    %dma_start3A_20 = arith.constant 0 : i32
    %dma_start3A_21 = tpu.memref_slice %arg1[%dma_start3A_19, %dma_start3A_20] : memref<8192x1024xf32, #tpu.memory_space<any>> -> memref<512x1024xf32, #tpu.memory_space<any>>
    tpu.enqueue_dma source(%arg3 : memref<512x1024xf32, #tpu.memory_space<vmem>>) target(%dma_start3A_21 : memref<512x1024xf32, #tpu.memory_space<any>>) target_semaphore(%arg11 : memref<!tpu.dma_semaphore, #tpu.memory_space<semaphore_mem>>)
    %dma_wait3A_22 = arith.constant 0 : i32
    %dma_wait3A_23 = arith.constant 0 : i32
    %dma_wait3A_24 = tpu.memref_slice %arg1[%dma_wait3A_22, %dma_wait3A_23] : memref<8192x1024xf32, #tpu.memory_space<any>> -> memref<512x1024xf32, #tpu.memory_space<any>>
    tpu.wait_dma2 semaphore(%arg10 : memref<!tpu.dma_semaphore, #tpu.memory_space<semaphore_mem>>) src(%arg2 : memref<512x1024xf32, #tpu.memory_space<vmem>>) dst(%dma_wait3A_24 : memref<512x1024xf32, #tpu.memory_space<any>>)
    %dma_start3A_25 = arith.constant 2048 : i32
    %dma_start3A_26 = arith.constant 0 : i32
    %dma_start3A_27 = tpu.memref_slice %arg0[%dma_start3A_25, %dma_start3A_26] : memref<8192x1024xf32, #tpu.memory_space<any>> -> memref<512x1024xf32, #tpu.memory_space<any>>
    tpu.enqueue_dma source(%dma_start3A_27 : memref<512x1024xf32, #tpu.memory_space<any>>) target(%arg2 : memref<512x1024xf32, #tpu.memory_space<vmem>>) target_semaphore(%arg6 : memref<!tpu.dma_semaphore, #tpu.memory_space<semaphore_mem>>)
    %dma_wait3A_28 = arith.constant 1024 : i32
    %dma_wait3A_29 = arith.constant 0 : i32
    %dma_wait3A_30 = tpu.memref_slice %arg0[%dma_wait3A_28, %dma_wait3A_29] : memref<8192x1024xf32, #tpu.memory_space<any>> -> memref<512x1024xf32, #tpu.memory_space<any>>
    tpu.wait_dma2 semaphore(%arg8 : memref<!tpu.dma_semaphore, #tpu.memory_space<semaphore_mem>>) src(%dma_wait3A_30 : memref<512x1024xf32, #tpu.memory_space<any>>) dst(%arg4 : memref<512x1024xf32, #tpu.memory_space<vmem>>)
    %dma_start3A_31 = arith.constant 1024 : i32
    %dma_start3A_32 = arith.constant 0 : i32
    %dma_start3A_33 = tpu.memref_slice %arg1[%dma_start3A_31, %dma_start3A_32] : memref<8192x1024xf32, #tpu.memory_space<any>> -> memref<512x1024xf32, #tpu.memory_space<any>>
    tpu.enqueue_dma source(%arg4 : memref<512x1024xf32, #tpu.memory_space<vmem>>) target(%dma_start3A_33 : memref<512x1024xf32, #tpu.memory_space<any>>) target_semaphore(%arg12 : memref<!tpu.dma_semaphore, #tpu.memory_space<semaphore_mem>>)
    %dma_wait3A_34 = arith.constant 512 : i32
    %dma_wait3A_35 = arith.constant 0 : i32
    %dma_wait3A_36 = tpu.memref_slice %arg1[%dma_wait3A_34, %dma_wait3A_35] : memref<8192x1024xf32, #tpu.memory_space<any>> -> memref<512x1024xf32, #tpu.memory_space<any>>
    tpu.wait_dma2 semaphore(%arg11 : memref<!tpu.dma_semaphore, #tpu.memory_space<semaphore_mem>>) src(%arg3 : memref<512x1024xf32, #tpu.memory_space<vmem>>) dst(%dma_wait3A_36 : memref<512x1024xf32, #tpu.memory_space<any>>)
    %dma_start3A_37 = arith.constant 2560 : i32
    %dma_start3A_38 = arith.constant 0 : i32
    %dma_start3A_39 = tpu.memref_slice %arg0[%dma_start3A_37, %dma_start3A_38] : memref<8192x1024xf32, #tpu.memory_space<any>> -> memref<512x1024xf32, #tpu.memory_space<any>>
    tpu.enqueue_dma source(%dma_start3A_39 : memref<512x1024xf32, #tpu.memory_space<any>>) target(%arg3 : memref<512x1024xf32, #tpu.memory_space<vmem>>) target_semaphore(%arg7 : memref<!tpu.dma_semaphore, #tpu.memory_space<semaphore_mem>>)
    %dma_wait3A_40 = arith.constant 1536 : i32
    %dma_wait3A_41 = arith.constant 0 : i32
    %dma_wait3A_42 = tpu.memref_slice %arg0[%dma_wait3A_40, %dma_wait3A_41] : memref<8192x1024xf32, #tpu.memory_space<any>> -> memref<512x1024xf32, #tpu.memory_space<any>>
    tpu.wait_dma2 semaphore(%arg9 : memref<!tpu.dma_semaphore, #tpu.memory_space<semaphore_mem>>) src(%dma_wait3A_42 : memref<512x1024xf32, #tpu.memory_space<any>>) dst(%arg5 : memref<512x1024xf32, #tpu.memory_space<vmem>>)
    %dma_start3A_43 = arith.constant 1536 : i32
    %dma_start3A_44 = arith.constant 0 : i32
    %dma_start3A_45 = tpu.memref_slice %arg1[%dma_start3A_43, %dma_start3A_44] : memref<8192x1024xf32, #tpu.memory_space<any>> -> memref<512x1024xf32, #tpu.memory_space<any>>
    tpu.enqueue_dma source(%arg5 : memref<512x1024xf32, #tpu.memory_space<vmem>>) target(%dma_start3A_45 : memref<512x1024xf32, #tpu.memory_space<any>>) target_semaphore(%arg13 : memref<!tpu.dma_semaphore, #tpu.memory_space<semaphore_mem>>)
    %dma_wait3A_46 = arith.constant 1024 : i32
    %dma_wait3A_47 = arith.constant 0 : i32
    %dma_wait3A_48 = tpu.memref_slice %arg1[%dma_wait3A_46, %dma_wait3A_47] : memref<8192x1024xf32, #tpu.memory_space<any>> -> memref<512x1024xf32, #tpu.memory_space<any>>
    tpu.wait_dma2 semaphore(%arg12 : memref<!tpu.dma_semaphore, #tpu.memory_space<semaphore_mem>>) src(%arg4 : memref<512x1024xf32, #tpu.memory_space<vmem>>) dst(%dma_wait3A_48 : memref<512x1024xf32, #tpu.memory_space<any>>)
    %dma_start3A_49 = arith.constant 3072 : i32
    %dma_start3A_50 = arith.constant 0 : i32
    %dma_start3A_51 = tpu.memref_slice %arg0[%dma_start3A_49, %dma_start3A_50] : memref<8192x1024xf32, #tpu.memory_space<any>> -> memref<512x1024xf32, #tpu.memory_space<any>>
    tpu.enqueue_dma source(%dma_start3A_51 : memref<512x1024xf32, #tpu.memory_space<any>>) target(%arg4 : memref<512x1024xf32, #tpu.memory_space<vmem>>) target_semaphore(%arg8 : memref<!tpu.dma_semaphore, #tpu.memory_space<semaphore_mem>>)
    %dma_wait3A_52 = arith.constant 2048 : i32
    %dma_wait3A_53 = arith.constant 0 : i32
    %dma_wait3A_54 = tpu.memref_slice %arg0[%dma_wait3A_52, %dma_wait3A_53] : memref<8192x1024xf32, #tpu.memory_space<any>> -> memref<512x1024xf32, #tpu.memory_space<any>>
    tpu.wait_dma2 semaphore(%arg6 : memref<!tpu.dma_semaphore, #tpu.memory_space<semaphore_mem>>) src(%dma_wait3A_54 : memref<512x1024xf32, #tpu.memory_space<any>>) dst(%arg2 : memref<512x1024xf32, #tpu.memory_space<vmem>>)
    %dma_start3A_55 = arith.constant 2048 : i32
    %dma_start3A_56 = arith.constant 0 : i32
    %dma_start3A_57 = tpu.memref_slice %arg1[%dma_start3A_55, %dma_start3A_56] : memref<8192x1024xf32, #tpu.memory_space<any>> -> memref<512x1024xf32, #tpu.memory_space<any>>
    tpu.enqueue_dma source(%arg2 : memref<512x1024xf32, #tpu.memory_space<vmem>>) target(%dma_start3A_57 : memref<512x1024xf32, #tpu.memory_space<any>>) target_semaphore(%arg10 : memref<!tpu.dma_semaphore, #tpu.memory_space<semaphore_mem>>)
    %dma_wait3A_58 = arith.constant 1536 : i32
    %dma_wait3A_59 = arith.constant 0 : i32
    %dma_wait3A_60 = tpu.memref_slice %arg1[%dma_wait3A_58, %dma_wait3A_59] : memref<8192x1024xf32, #tpu.memory_space<any>> -> memref<512x1024xf32, #tpu.memory_space<any>>
    tpu.wait_dma2 semaphore(%arg13 : memref<!tpu.dma_semaphore, #tpu.memory_space<semaphore_mem>>) src(%arg5 : memref<512x1024xf32, #tpu.memory_space<vmem>>) dst(%dma_wait3A_60 : memref<512x1024xf32, #tpu.memory_space<any>>)
    %dma_start3A_61 = arith.constant 3584 : i32
    %dma_start3A_62 = arith.constant 0 : i32
    %dma_start3A_63 = tpu.memref_slice %arg0[%dma_start3A_61, %dma_start3A_62] : memref<8192x1024xf32, #tpu.memory_space<any>> -> memref<512x1024xf32, #tpu.memory_space<any>>
    tpu.enqueue_dma source(%dma_start3A_63 : memref<512x1024xf32, #tpu.memory_space<any>>) target(%arg5 : memref<512x1024xf32, #tpu.memory_space<vmem>>) target_semaphore(%arg9 : memref<!tpu.dma_semaphore, #tpu.memory_space<semaphore_mem>>)
    %dma_wait3A_64 = arith.constant 2560 : i32
    %dma_wait3A_65 = arith.constant 0 : i32
    %dma_wait3A_66 = tpu.memref_slice %arg0[%dma_wait3A_64, %dma_wait3A_65] : memref<8192x1024xf32, #tpu.memory_space<any>> -> memref<512x1024xf32, #tpu.memory_space<any>>
    tpu.wait_dma2 semaphore(%arg7 : memref<!tpu.dma_semaphore, #tpu.memory_space<semaphore_mem>>) src(%dma_wait3A_66 : memref<512x1024xf32, #tpu.memory_space<any>>) dst(%arg3 : memref<512x1024xf32, #tpu.memory_space<vmem>>)
    %dma_start3A_67 = arith.constant 2560 : i32
    %dma_start3A_68 = arith.constant 0 : i32
    %dma_start3A_69 = tpu.memref_slice %arg1[%dma_start3A_67, %dma_start3A_68] : memref<8192x1024xf32, #tpu.memory_space<any>> -> memref<512x1024xf32, #tpu.memory_space<any>>
    tpu.enqueue_dma source(%arg3 : memref<512x1024xf32, #tpu.memory_space<vmem>>) target(%dma_start3A_69 : memref<512x1024xf32, #tpu.memory_space<any>>) target_semaphore(%arg11 : memref<!tpu.dma_semaphore, #tpu.memory_space<semaphore_mem>>)
    %dma_wait3A_70 = arith.constant 2048 : i32
    %dma_wait3A_71 = arith.constant 0 : i32
    %dma_wait3A_72 = tpu.memref_slice %arg1[%dma_wait3A_70, %dma_wait3A_71] : memref<8192x1024xf32, #tpu.memory_space<any>> -> memref<512x1024xf32, #tpu.memory_space<any>>
    tpu.wait_dma2 semaphore(%arg10 : memref<!tpu.dma_semaphore, #tpu.memory_space<semaphore_mem>>) src(%arg2 : memref<512x1024xf32, #tpu.memory_space<vmem>>) dst(%dma_wait3A_72 : memref<512x1024xf32, #tpu.memory_space<any>>)
    %dma_start3A_73 = arith.constant 4096 : i32
    %dma_start3A_74 = arith.constant 0 : i32
    %dma_start3A_75 = tpu.memref_slice %arg0[%dma_start3A_73, %dma_start3A_74] : memref<8192x1024xf32, #tpu.memory_space<any>> -> memref<512x1024xf32, #tpu.memory_space<any>>
    tpu.enqueue_dma source(%dma_start3A_75 : memref<512x1024xf32, #tpu.memory_space<any>>) target(%arg2 : memref<512x1024xf32, #tpu.memory_space<vmem>>) target_semaphore(%arg6 : memref<!tpu.dma_semaphore, #tpu.memory_space<semaphore_mem>>)
    %dma_wait3A_76 = arith.constant 3072 : i32
    %dma_wait3A_77 = arith.constant 0 : i32
    %dma_wait3A_78 = tpu.memref_slice %arg0[%dma_wait3A_76, %dma_wait3A_77] : memref<8192x1024xf32, #tpu.memory_space<any>> -> memref<512x1024xf32, #tpu.memory_space<any>>
    tpu.wait_dma2 semaphore(%arg8 : memref<!tpu.dma_semaphore, #tpu.memory_space<semaphore_mem>>) src(%dma_wait3A_78 : memref<512x1024xf32, #tpu.memory_space<any>>) dst(%arg4 : memref<512x1024xf32, #tpu.memory_space<vmem>>)
    %dma_start3A_79 = arith.constant 3072 : i32
    %dma_start3A_80 = arith.constant 0 : i32
    %dma_start3A_81 = tpu.memref_slice %arg1[%dma_start3A_79, %dma_start3A_80] : memref<8192x1024xf32, #tpu.memory_space<any>> -> memref<512x1024xf32, #tpu.memory_space<any>>
    tpu.enqueue_dma source(%arg4 : memref<512x1024xf32, #tpu.memory_space<vmem>>) target(%dma_start3A_81 : memref<512x1024xf32, #tpu.memory_space<any>>) target_semaphore(%arg12 : memref<!tpu.dma_semaphore, #tpu.memory_space<semaphore_mem>>)
    %dma_wait3A_82 = arith.constant 2560 : i32
    %dma_wait3A_83 = arith.constant 0 : i32
    %dma_wait3A_84 = tpu.memref_slice %arg1[%dma_wait3A_82, %dma_wait3A_83] : memref<8192x1024xf32, #tpu.memory_space<any>> -> memref<512x1024xf32, #tpu.memory_space<any>>
    tpu.wait_dma2 semaphore(%arg11 : memref<!tpu.dma_semaphore, #tpu.memory_space<semaphore_mem>>) src(%arg3 : memref<512x1024xf32, #tpu.memory_space<vmem>>) dst(%dma_wait3A_84 : memref<512x1024xf32, #tpu.memory_space<any>>)
    %dma_start3A_85 = arith.constant 4608 : i32
    %dma_start3A_86 = arith.constant 0 : i32
    %dma_start3A_87 = tpu.memref_slice %arg0[%dma_start3A_85, %dma_start3A_86] : memref<8192x1024xf32, #tpu.memory_space<any>> -> memref<512x1024xf32, #tpu.memory_space<any>>
    tpu.enqueue_dma source(%dma_start3A_87 : memref<512x1024xf32, #tpu.memory_space<any>>) target(%arg3 : memref<512x1024xf32, #tpu.memory_space<vmem>>) target_semaphore(%arg7 : memref<!tpu.dma_semaphore, #tpu.memory_space<semaphore_mem>>)
    %dma_wait3A_88 = arith.constant 3584 : i32
    %dma_wait3A_89 = arith.constant 0 : i32
    %dma_wait3A_90 = tpu.memref_slice %arg0[%dma_wait3A_88, %dma_wait3A_89] : memref<8192x1024xf32, #tpu.memory_space<any>> -> memref<512x1024xf32, #tpu.memory_space<any>>
    tpu.wait_dma2 semaphore(%arg9 : memref<!tpu.dma_semaphore, #tpu.memory_space<semaphore_mem>>) src(%dma_wait3A_90 : memref<512x1024xf32, #tpu.memory_space<any>>) dst(%arg5 : memref<512x1024xf32, #tpu.memory_space<vmem>>)
    %dma_start3A_91 = arith.constant 3584 : i32
    %dma_start3A_92 = arith.constant 0 : i32
    %dma_start3A_93 = tpu.memref_slice %arg1[%dma_start3A_91, %dma_start3A_92] : memref<8192x1024xf32, #tpu.memory_space<any>> -> memref<512x1024xf32, #tpu.memory_space<any>>
    tpu.enqueue_dma source(%arg5 : memref<512x1024xf32, #tpu.memory_space<vmem>>) target(%dma_start3A_93 : memref<512x1024xf32, #tpu.memory_space<any>>) target_semaphore(%arg13 : memref<!tpu.dma_semaphore, #tpu.memory_space<semaphore_mem>>)
    %dma_wait3A_94 = arith.constant 3072 : i32
    %dma_wait3A_95 = arith.constant 0 : i32
    %dma_wait3A_96 = tpu.memref_slice %arg1[%dma_wait3A_94, %dma_wait3A_95] : memref<8192x1024xf32, #tpu.memory_space<any>> -> memref<512x1024xf32, #tpu.memory_space<any>>
    tpu.wait_dma2 semaphore(%arg12 : memref<!tpu.dma_semaphore, #tpu.memory_space<semaphore_mem>>) src(%arg4 : memref<512x1024xf32, #tpu.memory_space<vmem>>) dst(%dma_wait3A_96 : memref<512x1024xf32, #tpu.memory_space<any>>)
    %dma_start3A_97 = arith.constant 5120 : i32
    %dma_start3A_98 = arith.constant 0 : i32
    %dma_start3A_99 = tpu.memref_slice %arg0[%dma_start3A_97, %dma_start3A_98] : memref<8192x1024xf32, #tpu.memory_space<any>> -> memref<512x1024xf32, #tpu.memory_space<any>>
    tpu.enqueue_dma source(%dma_start3A_99 : memref<512x1024xf32, #tpu.memory_space<any>>) target(%arg4 : memref<512x1024xf32, #tpu.memory_space<vmem>>) target_semaphore(%arg8 : memref<!tpu.dma_semaphore, #tpu.memory_space<semaphore_mem>>)
    %dma_wait3A_100 = arith.constant 4096 : i32
    %dma_wait3A_101 = arith.constant 0 : i32
    %dma_wait3A_102 = tpu.memref_slice %arg0[%dma_wait3A_100, %dma_wait3A_101] : memref<8192x1024xf32, #tpu.memory_space<any>> -> memref<512x1024xf32, #tpu.memory_space<any>>
    tpu.wait_dma2 semaphore(%arg6 : memref<!tpu.dma_semaphore, #tpu.memory_space<semaphore_mem>>) src(%dma_wait3A_102 : memref<512x1024xf32, #tpu.memory_space<any>>) dst(%arg2 : memref<512x1024xf32, #tpu.memory_space<vmem>>)
    %dma_start3A_103 = arith.constant 4096 : i32
    %dma_start3A_104 = arith.constant 0 : i32
    %dma_start3A_105 = tpu.memref_slice %arg1[%dma_start3A_103, %dma_start3A_104] : memref<8192x1024xf32, #tpu.memory_space<any>> -> memref<512x1024xf32, #tpu.memory_space<any>>
    tpu.enqueue_dma source(%arg2 : memref<512x1024xf32, #tpu.memory_space<vmem>>) target(%dma_start3A_105 : memref<512x1024xf32, #tpu.memory_space<any>>) target_semaphore(%arg10 : memref<!tpu.dma_semaphore, #tpu.memory_space<semaphore_mem>>)
    %dma_wait3A_106 = arith.constant 3584 : i32
    %dma_wait3A_107 = arith.constant 0 : i32
    %dma_wait3A_108 = tpu.memref_slice %arg1[%dma_wait3A_106, %dma_wait3A_107] : memref<8192x1024xf32, #tpu.memory_space<any>> -> memref<512x1024xf32, #tpu.memory_space<any>>
    tpu.wait_dma2 semaphore(%arg13 : memref<!tpu.dma_semaphore, #tpu.memory_space<semaphore_mem>>) src(%arg5 : memref<512x1024xf32, #tpu.memory_space<vmem>>) dst(%dma_wait3A_108 : memref<512x1024xf32, #tpu.memory_space<any>>)
    %dma_start3A_109 = arith.constant 5632 : i32
    %dma_start3A_110 = arith.constant 0 : i32
    %dma_start3A_111 = tpu.memref_slice %arg0[%dma_start3A_109, %dma_start3A_110] : memref<8192x1024xf32, #tpu.memory_space<any>> -> memref<512x1024xf32, #tpu.memory_space<any>>
    tpu.enqueue_dma source(%dma_start3A_111 : memref<512x1024xf32, #tpu.memory_space<any>>) target(%arg5 : memref<512x1024xf32, #tpu.memory_space<vmem>>) target_semaphore(%arg9 : memref<!tpu.dma_semaphore, #tpu.memory_space<semaphore_mem>>)
    %dma_wait3A_112 = arith.constant 4608 : i32
    %dma_wait3A_113 = arith.constant 0 : i32
    %dma_wait3A_114 = tpu.memref_slice %arg0[%dma_wait3A_112, %dma_wait3A_113] : memref<8192x1024xf32, #tpu.memory_space<any>> -> memref<512x1024xf32, #tpu.memory_space<any>>
    tpu.wait_dma2 semaphore(%arg7 : memref<!tpu.dma_semaphore, #tpu.memory_space<semaphore_mem>>) src(%dma_wait3A_114 : memref<512x1024xf32, #tpu.memory_space<any>>) dst(%arg3 : memref<512x1024xf32, #tpu.memory_space<vmem>>)
    %dma_start3A_115 = arith.constant 4608 : i32
    %dma_start3A_116 = arith.constant 0 : i32
    %dma_start3A_117 = tpu.memref_slice %arg1[%dma_start3A_115, %dma_start3A_116] : memref<8192x1024xf32, #tpu.memory_space<any>> -> memref<512x1024xf32, #tpu.memory_space<any>>
    tpu.enqueue_dma source(%arg3 : memref<512x1024xf32, #tpu.memory_space<vmem>>) target(%dma_start3A_117 : memref<512x1024xf32, #tpu.memory_space<any>>) target_semaphore(%arg11 : memref<!tpu.dma_semaphore, #tpu.memory_space<semaphore_mem>>)
    %dma_wait3A_118 = arith.constant 4096 : i32
    %dma_wait3A_119 = arith.constant 0 : i32
    %dma_wait3A_120 = tpu.memref_slice %arg1[%dma_wait3A_118, %dma_wait3A_119] : memref<8192x1024xf32, #tpu.memory_space<any>> -> memref<512x1024xf32, #tpu.memory_space<any>>
    tpu.wait_dma2 semaphore(%arg10 : memref<!tpu.dma_semaphore, #tpu.memory_space<semaphore_mem>>) src(%arg2 : memref<512x1024xf32, #tpu.memory_space<vmem>>) dst(%dma_wait3A_120 : memref<512x1024xf32, #tpu.memory_space<any>>)
    %dma_start3A_121 = arith.constant 6144 : i32
    %dma_start3A_122 = arith.constant 0 : i32
    %dma_start3A_123 = tpu.memref_slice %arg0[%dma_start3A_121, %dma_start3A_122] : memref<8192x1024xf32, #tpu.memory_space<any>> -> memref<512x1024xf32, #tpu.memory_space<any>>
    tpu.enqueue_dma source(%dma_start3A_123 : memref<512x1024xf32, #tpu.memory_space<any>>) target(%arg2 : memref<512x1024xf32, #tpu.memory_space<vmem>>) target_semaphore(%arg6 : memref<!tpu.dma_semaphore, #tpu.memory_space<semaphore_mem>>)
    %dma_wait3A_124 = arith.constant 5120 : i32
    %dma_wait3A_125 = arith.constant 0 : i32
    %dma_wait3A_126 = tpu.memref_slice %arg0[%dma_wait3A_124, %dma_wait3A_125] : memref<8192x1024xf32, #tpu.memory_space<any>> -> memref<512x1024xf32, #tpu.memory_space<any>>
    tpu.wait_dma2 semaphore(%arg8 : memref<!tpu.dma_semaphore, #tpu.memory_space<semaphore_mem>>) src(%dma_wait3A_126 : memref<512x1024xf32, #tpu.memory_space<any>>) dst(%arg4 : memref<512x1024xf32, #tpu.memory_space<vmem>>)
    %dma_start3A_127 = arith.constant 5120 : i32
    %dma_start3A_128 = arith.constant 0 : i32
    %dma_start3A_129 = tpu.memref_slice %arg1[%dma_start3A_127, %dma_start3A_128] : memref<8192x1024xf32, #tpu.memory_space<any>> -> memref<512x1024xf32, #tpu.memory_space<any>>
    tpu.enqueue_dma source(%arg4 : memref<512x1024xf32, #tpu.memory_space<vmem>>) target(%dma_start3A_129 : memref<512x1024xf32, #tpu.memory_space<any>>) target_semaphore(%arg12 : memref<!tpu.dma_semaphore, #tpu.memory_space<semaphore_mem>>)
    %dma_wait3A_130 = arith.constant 4608 : i32
    %dma_wait3A_131 = arith.constant 0 : i32
    %dma_wait3A_132 = tpu.memref_slice %arg1[%dma_wait3A_130, %dma_wait3A_131] : memref<8192x1024xf32, #tpu.memory_space<any>> -> memref<512x1024xf32, #tpu.memory_space<any>>
    tpu.wait_dma2 semaphore(%arg11 : memref<!tpu.dma_semaphore, #tpu.memory_space<semaphore_mem>>) src(%arg3 : memref<512x1024xf32, #tpu.memory_space<vmem>>) dst(%dma_wait3A_132 : memref<512x1024xf32, #tpu.memory_space<any>>)
    %dma_start3A_133 = arith.constant 6656 : i32
    %dma_start3A_134 = arith.constant 0 : i32
    %dma_start3A_135 = tpu.memref_slice %arg0[%dma_start3A_133, %dma_start3A_134] : memref<8192x1024xf32, #tpu.memory_space<any>> -> memref<512x1024xf32, #tpu.memory_space<any>>
    tpu.enqueue_dma source(%dma_start3A_135 : memref<512x1024xf32, #tpu.memory_space<any>>) target(%arg3 : memref<512x1024xf32, #tpu.memory_space<vmem>>) target_semaphore(%arg7 : memref<!tpu.dma_semaphore, #tpu.memory_space<semaphore_mem>>)
    %dma_wait3A_136 = arith.constant 5632 : i32
    %dma_wait3A_137 = arith.constant 0 : i32
    %dma_wait3A_138 = tpu.memref_slice %arg0[%dma_wait3A_136, %dma_wait3A_137] : memref<8192x1024xf32, #tpu.memory_space<any>> -> memref<512x1024xf32, #tpu.memory_space<any>>
    tpu.wait_dma2 semaphore(%arg9 : memref<!tpu.dma_semaphore, #tpu.memory_space<semaphore_mem>>) src(%dma_wait3A_138 : memref<512x1024xf32, #tpu.memory_space<any>>) dst(%arg5 : memref<512x1024xf32, #tpu.memory_space<vmem>>)
    %dma_start3A_139 = arith.constant 5632 : i32
    %dma_start3A_140 = arith.constant 0 : i32
    %dma_start3A_141 = tpu.memref_slice %arg1[%dma_start3A_139, %dma_start3A_140] : memref<8192x1024xf32, #tpu.memory_space<any>> -> memref<512x1024xf32, #tpu.memory_space<any>>
    tpu.enqueue_dma source(%arg5 : memref<512x1024xf32, #tpu.memory_space<vmem>>) target(%dma_start3A_141 : memref<512x1024xf32, #tpu.memory_space<any>>) target_semaphore(%arg13 : memref<!tpu.dma_semaphore, #tpu.memory_space<semaphore_mem>>)
    %dma_wait3A_142 = arith.constant 5120 : i32
    %dma_wait3A_143 = arith.constant 0 : i32
    %dma_wait3A_144 = tpu.memref_slice %arg1[%dma_wait3A_142, %dma_wait3A_143] : memref<8192x1024xf32, #tpu.memory_space<any>> -> memref<512x1024xf32, #tpu.memory_space<any>>
    tpu.wait_dma2 semaphore(%arg12 : memref<!tpu.dma_semaphore, #tpu.memory_space<semaphore_mem>>) src(%arg4 : memref<512x1024xf32, #tpu.memory_space<vmem>>) dst(%dma_wait3A_144 : memref<512x1024xf32, #tpu.memory_space<any>>)
    %dma_start3A_145 = arith.constant 7168 : i32
    %dma_start3A_146 = arith.constant 0 : i32
    %dma_start3A_147 = tpu.memref_slice %arg0[%dma_start3A_145, %dma_start3A_146] : memref<8192x1024xf32, #tpu.memory_space<any>> -> memref<512x1024xf32, #tpu.memory_space<any>>
    tpu.enqueue_dma source(%dma_start3A_147 : memref<512x1024xf32, #tpu.memory_space<any>>) target(%arg4 : memref<512x1024xf32, #tpu.memory_space<vmem>>) target_semaphore(%arg8 : memref<!tpu.dma_semaphore, #tpu.memory_space<semaphore_mem>>)
    %dma_wait3A_148 = arith.constant 6144 : i32
    %dma_wait3A_149 = arith.constant 0 : i32
    %dma_wait3A_150 = tpu.memref_slice %arg0[%dma_wait3A_148, %dma_wait3A_149] : memref<8192x1024xf32, #tpu.memory_space<any>> -> memref<512x1024xf32, #tpu.memory_space<any>>
    tpu.wait_dma2 semaphore(%arg6 : memref<!tpu.dma_semaphore, #tpu.memory_space<semaphore_mem>>) src(%dma_wait3A_150 : memref<512x1024xf32, #tpu.memory_space<any>>) dst(%arg2 : memref<512x1024xf32, #tpu.memory_space<vmem>>)
    %dma_start3A_151 = arith.constant 6144 : i32
    %dma_start3A_152 = arith.constant 0 : i32
    %dma_start3A_153 = tpu.memref_slice %arg1[%dma_start3A_151, %dma_start3A_152] : memref<8192x1024xf32, #tpu.memory_space<any>> -> memref<512x1024xf32, #tpu.memory_space<any>>
    tpu.enqueue_dma source(%arg2 : memref<512x1024xf32, #tpu.memory_space<vmem>>) target(%dma_start3A_153 : memref<512x1024xf32, #tpu.memory_space<any>>) target_semaphore(%arg10 : memref<!tpu.dma_semaphore, #tpu.memory_space<semaphore_mem>>)
    %dma_wait3A_154 = arith.constant 5632 : i32
    %dma_wait3A_155 = arith.constant 0 : i32
    %dma_wait3A_156 = tpu.memref_slice %arg1[%dma_wait3A_154, %dma_wait3A_155] : memref<8192x1024xf32, #tpu.memory_space<any>> -> memref<512x1024xf32, #tpu.memory_space<any>>
    tpu.wait_dma2 semaphore(%arg13 : memref<!tpu.dma_semaphore, #tpu.memory_space<semaphore_mem>>) src(%arg5 : memref<512x1024xf32, #tpu.memory_space<vmem>>) dst(%dma_wait3A_156 : memref<512x1024xf32, #tpu.memory_space<any>>)
    %dma_start3A_157 = arith.constant 7680 : i32
    %dma_start3A_158 = arith.constant 0 : i32
    %dma_start3A_159 = tpu.memref_slice %arg0[%dma_start3A_157, %dma_start3A_158] : memref<8192x1024xf32, #tpu.memory_space<any>> -> memref<512x1024xf32, #tpu.memory_space<any>>
    tpu.enqueue_dma source(%dma_start3A_159 : memref<512x1024xf32, #tpu.memory_space<any>>) target(%arg5 : memref<512x1024xf32, #tpu.memory_space<vmem>>) target_semaphore(%arg9 : memref<!tpu.dma_semaphore, #tpu.memory_space<semaphore_mem>>)
    %dma_wait3A_160 = arith.constant 6656 : i32
    %dma_wait3A_161 = arith.constant 0 : i32
    %dma_wait3A_162 = tpu.memref_slice %arg0[%dma_wait3A_160, %dma_wait3A_161] : memref<8192x1024xf32, #tpu.memory_space<any>> -> memref<512x1024xf32, #tpu.memory_space<any>>
    tpu.wait_dma2 semaphore(%arg7 : memref<!tpu.dma_semaphore, #tpu.memory_space<semaphore_mem>>) src(%dma_wait3A_162 : memref<512x1024xf32, #tpu.memory_space<any>>) dst(%arg3 : memref<512x1024xf32, #tpu.memory_space<vmem>>)
    %dma_start3A_163 = arith.constant 6656 : i32
    %dma_start3A_164 = arith.constant 0 : i32
    %dma_start3A_165 = tpu.memref_slice %arg1[%dma_start3A_163, %dma_start3A_164] : memref<8192x1024xf32, #tpu.memory_space<any>> -> memref<512x1024xf32, #tpu.memory_space<any>>
    tpu.enqueue_dma source(%arg3 : memref<512x1024xf32, #tpu.memory_space<vmem>>) target(%dma_start3A_165 : memref<512x1024xf32, #tpu.memory_space<any>>) target_semaphore(%arg11 : memref<!tpu.dma_semaphore, #tpu.memory_space<semaphore_mem>>)
    %dma_wait3A_166 = arith.constant 7168 : i32
    %dma_wait3A_167 = arith.constant 0 : i32
    %dma_wait3A_168 = tpu.memref_slice %arg0[%dma_wait3A_166, %dma_wait3A_167] : memref<8192x1024xf32, #tpu.memory_space<any>> -> memref<512x1024xf32, #tpu.memory_space<any>>
    tpu.wait_dma2 semaphore(%arg8 : memref<!tpu.dma_semaphore, #tpu.memory_space<semaphore_mem>>) src(%dma_wait3A_168 : memref<512x1024xf32, #tpu.memory_space<any>>) dst(%arg4 : memref<512x1024xf32, #tpu.memory_space<vmem>>)
    %dma_start3A_169 = arith.constant 7168 : i32
    %dma_start3A_170 = arith.constant 0 : i32
    %dma_start3A_171 = tpu.memref_slice %arg1[%dma_start3A_169, %dma_start3A_170] : memref<8192x1024xf32, #tpu.memory_space<any>> -> memref<512x1024xf32, #tpu.memory_space<any>>
    tpu.enqueue_dma source(%arg4 : memref<512x1024xf32, #tpu.memory_space<vmem>>) target(%dma_start3A_171 : memref<512x1024xf32, #tpu.memory_space<any>>) target_semaphore(%arg12 : memref<!tpu.dma_semaphore, #tpu.memory_space<semaphore_mem>>)
    %dma_wait3A_172 = arith.constant 7680 : i32
    %dma_wait3A_173 = arith.constant 0 : i32
    %dma_wait3A_174 = tpu.memref_slice %arg0[%dma_wait3A_172, %dma_wait3A_173] : memref<8192x1024xf32, #tpu.memory_space<any>> -> memref<512x1024xf32, #tpu.memory_space<any>>
    tpu.wait_dma2 semaphore(%arg9 : memref<!tpu.dma_semaphore, #tpu.memory_space<semaphore_mem>>) src(%dma_wait3A_174 : memref<512x1024xf32, #tpu.memory_space<any>>) dst(%arg5 : memref<512x1024xf32, #tpu.memory_space<vmem>>)
    %dma_start3A_175 = arith.constant 7680 : i32
    %dma_start3A_176 = arith.constant 0 : i32
    %dma_start3A_177 = tpu.memref_slice %arg1[%dma_start3A_175, %dma_start3A_176] : memref<8192x1024xf32, #tpu.memory_space<any>> -> memref<512x1024xf32, #tpu.memory_space<any>>
    tpu.enqueue_dma source(%arg5 : memref<512x1024xf32, #tpu.memory_space<vmem>>) target(%dma_start3A_177 : memref<512x1024xf32, #tpu.memory_space<any>>) target_semaphore(%arg13 : memref<!tpu.dma_semaphore, #tpu.memory_space<semaphore_mem>>)
    %dma_wait3A_178 = arith.constant 6144 : i32
    %dma_wait3A_179 = arith.constant 0 : i32
    %dma_wait3A_180 = tpu.memref_slice %arg1[%dma_wait3A_178, %dma_wait3A_179] : memref<8192x1024xf32, #tpu.memory_space<any>> -> memref<512x1024xf32, #tpu.memory_space<any>>
    tpu.wait_dma2 semaphore(%arg10 : memref<!tpu.dma_semaphore, #tpu.memory_space<semaphore_mem>>) src(%arg2 : memref<512x1024xf32, #tpu.memory_space<vmem>>) dst(%dma_wait3A_180 : memref<512x1024xf32, #tpu.memory_space<any>>)
    %dma_wait3A_181 = arith.constant 6656 : i32
    %dma_wait3A_182 = arith.constant 0 : i32
    %dma_wait3A_183 = tpu.memref_slice %arg1[%dma_wait3A_181, %dma_wait3A_182] : memref<8192x1024xf32, #tpu.memory_space<any>> -> memref<512x1024xf32, #tpu.memory_space<any>>
    tpu.wait_dma2 semaphore(%arg11 : memref<!tpu.dma_semaphore, #tpu.memory_space<semaphore_mem>>) src(%arg3 : memref<512x1024xf32, #tpu.memory_space<vmem>>) dst(%dma_wait3A_183 : memref<512x1024xf32, #tpu.memory_space<any>>)
    %dma_wait3A_184 = arith.constant 7168 : i32
    %dma_wait3A_185 = arith.constant 0 : i32
    %dma_wait3A_186 = tpu.memref_slice %arg1[%dma_wait3A_184, %dma_wait3A_185] : memref<8192x1024xf32, #tpu.memory_space<any>> -> memref<512x1024xf32, #tpu.memory_space<any>>
    tpu.wait_dma2 semaphore(%arg12 : memref<!tpu.dma_semaphore, #tpu.memory_space<semaphore_mem>>) src(%arg4 : memref<512x1024xf32, #tpu.memory_space<vmem>>) dst(%dma_wait3A_186 : memref<512x1024xf32, #tpu.memory_space<any>>)
    %dma_wait3A_187 = arith.constant 7680 : i32
    %dma_wait3A_188 = arith.constant 0 : i32
    %dma_wait3A_189 = tpu.memref_slice %arg1[%dma_wait3A_187, %dma_wait3A_188] : memref<8192x1024xf32, #tpu.memory_space<any>> -> memref<512x1024xf32, #tpu.memory_space<any>>
    tpu.wait_dma2 semaphore(%arg13 : memref<!tpu.dma_semaphore, #tpu.memory_space<semaphore_mem>>) src(%arg5 : memref<512x1024xf32, #tpu.memory_space<vmem>>) dst(%dma_wait3A_189 : memref<512x1024xf32, #tpu.memory_space<any>>)
    return
  }
}

</mosaic_0001>

<sc_bundles>
// kernel: kernel.4.cloned.1.call-start
scs
__scs_entry_jumppad:
0x0: {  	(pc) =	sbr.rel $0x88, $3  }
0x1: {  	(tag) =	ssettag $0x0;
	lr =	simm.s32 $0x1  }
0x2: {  	[smem:$0x3F9E] =	sst lr;
	_ =	strace $0xD0000000  }
0x3: {  	_ = 	snop  }
0x4: {  	_ = 	snop  }
0x5: {  	_ = 	snop  }
0x6: {  	_ = 	snop  }
0x7: {  	_ = 	snop  }
__scs_overlays_trampoline_lowered:
0x8: {  	[smem:$0x3FAD] =	sst s0  }
0x9: {  	[smem:$0x3FAE] =	sst s1  }
0xa: {  	[smem:$0x3FAF] =	sst s2  }
0xb: {  	[smem:$0x3FB0] =	sst s3  }
0xc: {  	[smem:$0x3FB1] =	sst s4  }
0xd: {  	[smem:$0x3FB2] =	sst s5  }
0xe: {  	[smem:$0x3FB3] =	sst s6  }
0xf: {  	[smem:$0x3FB4] =	sst s7  }
0x10: {  	[smem:$0x3FB5] =	sst s8  }
0x11: {  	[smem:$0x3FB6] =	sst s9;
	s0 =	simm.s32 @!p0 $0x0  }
0x12: {  	s1 =	sld [smem:$0x3F9C];
	s0 =	simm.s32 @p0 $0x1  }
0x13: {  	[smem:$0x3FB7] =	sst s0;
	s0 =	simm.s32 @!p1 $0x0  }
0x14: {  	s2 =	sld [smem:$0x3F9B];
	s0 =	simm.s32 @p1 $0x1  }
0x15: {  	[smem:$0x3FB8] =	sst s0;
	s0 =	simm.s32 @!p2 $0x0  }
0x16: {  	s3 =	sld [smem:$0x3FDB];
	s0 =	simm.s32 @p2 $0x1  }
0x17: {  	s4 =	simm.s32 $0x1BF5;
	[smem:$0x3FBA] =	sst s0  }
0x18: {  	s0 =	sld [smem:$0x3F9D];
	_ =	swait.ge [sflag:s4], $0x0  }
0x19: {  	s7 =	sld [smem:$0x3F9E]  }
0x1a: {  	s8 =	sadd.s32 $0xFFFFE003, lr  }
0x1b: {  	s9 =	sadd.s32 $0xFFFFFEF7, lr;
	s5 =	simm.s32 $0xFFFFFFFF;
	p2 =	slt.u32 s8, $0xFFFFF086  }
0x1c: {  	p1 =	slt.u32 s9, $0xF7A;
	s5 =	simm.s32 @!p2 $0x0  }
0x1d: {  	s5 =	simm.s32 @p1 $0x1;
	p0 =	seq.s32 s7, s2  }
0x1e: {  	s7 =	smul.u32 @!p0 $0xF7A, s2;
	p2 =	seq.s32 @!p0 s5, $0x0  }
0x1f: {  	s9 =	smul.u32 $0xF7A, s1;
	s8 =	simm.s32 @!p0 $0x1BF5;
	p2 =	por !p2, p0  }
0x20: {  	[sflag:s8] =	ssyncset.s32 @!p0 $0xFFFFF086;
	s6 =	sadd.s32 @!p0 s3, s7;
	s7 =	simm.s32 @!p0 $0x108  }
0x21: {  	s3 =	sadd.s32 s3, s9;
	s6 =	sadd.s32 @!p0 $0x88, s6;
	s7 =	simm.s32 @p2 $0x1082  }
0x22: {  	[simem:s7], [sflag:s8] =	dma.local @!p0 [hbm:s6], $0xF7A  }
0x23: {  	s9 =	sor.u32 $0xD0000000, s2;
	s6 =	simm.s32 $0x108;
	_ =	swait.ge @!p0 [sflag:s8], $0x0  }
0x24: {  	s3 =	sadd.s32 $0x88, s3;
	s6 =	simm.s32 @!p1 $0x1082;
	[sflag:s4] =	ssyncset.s32 $0xFFFFF086  }
0x25: {  	[simem:s6], [sflag:s4] =	dma.local [hbm:s3], $0xF7A  }
0x26: {  	[smem:$0x3F9E] =	sst s1;
	(tag) =	ssettag s2;
	_ =	strace s9  }
0x27: {  	s1 =	sld [smem:$0x3FAE]  }
0x28: {  	s2 =	sld [smem:$0x3FAF]  }
0x29: {  	s4 =	sld [smem:$0x3FB1]  }
0x2a: {  	p0 =	seq.s32 s5, $0x0;
	s5 =	sld [smem:$0x3FB2]  }
0x2b: {  	s6 =	sld [smem:$0x3FB3]  }
0x2c: {  	s7 =	sld [smem:$0x3FB4]  }
0x2d: {  	s3 =	simm.s32 $0x108;
	s8 =	sld [smem:$0x3FB5]  }
0x2e: {  	s3 =	simm.s32 @!p0 $0x1082;
	s9 =	sld [smem:$0x3FB6]  }
0x2f: {  	lr =	sadd.s32 s0, s3;
	s0 =	sld [smem:$0x3FAD]  }
0x30: {  	s3 =	sld [smem:$0x3FB0]  }
0x31: {  	[smem:$0x3FB9] =	sst s10  }
0x32: {  	s10 =	sld [smem:$0x3FB7];
	_ =	sdelay $0x3  }
0x33: {  	p0 =	seq.s32 s10, $0x1;
	s10 =	sld [smem:$0x3FB9];
	_ =	sdelay $0x3  }
0x34: {  	[smem:$0x3FB9] =	sst s10  }
0x35: {  	s10 =	sld [smem:$0x3FB8];
	_ =	sdelay $0x3  }
0x36: {  	p1 =	seq.s32 s10, $0x1;
	s10 =	sld [smem:$0x3FB9];
	_ =	sdelay $0x3  }
0x37: {  	[smem:$0x3FB9] =	sst s10  }
0x38: {  	s10 =	sld [smem:$0x3FBA]  }
0x39: {  	_ = 	snop;
	(pc) =	sbr.ind lr, $3  }
0x3a: {  	_ = 	snop  }
0x3b: {  	_ = 	snop  }
0x3c: {  	p2 =	seq.s32 s10, $0x1;
	s10 =	sld [smem:$0x3FB9]  }
0x3d: {  	_ =	shalt  }
0x3e: {  	_ =	shalt  }
0x3f: {  	_ =	shalt  }
0x40: {  	_ =	shalt  }
0x41: {  	_ =	shalt  }
0x42: {  	_ =	shalt  }
0x43: {  	_ =	shalt  }
0x44: {  	_ =	shalt  }
0x45: {  	_ =	shalt  }
0x46: {  	_ =	shalt  }
0x47: {  	_ =	shalt  }
0x48: {  	_ =	shalt  }
0x49: {  	_ =	shalt  }
0x4a: {  	_ =	shalt  }
0x4b: {  	_ =	shalt  }
0x4c: {  	_ =	shalt  }
0x4d: {  	_ =	shalt  }
0x4e: {  	_ =	shalt  }
0x4f: {  	_ =	shalt  }
0x50: {  	_ =	shalt  }
0x51: {  	_ =	shalt  }
0x52: {  	_ =	shalt  }
0x53: {  	_ =	shalt  }
0x54: {  	_ =	shalt  }
0x55: {  	_ =	shalt  }
0x56: {  	_ =	shalt  }
0x57: {  	_ =	shalt  }
0x58: {  	_ =	shalt  }
0x59: {  	_ =	shalt  }
0x5a: {  	_ =	shalt  }
0x5b: {  	_ =	shalt  }
0x5c: {  	_ =	shalt  }
0x5d: {  	_ =	shalt  }
0x5e: {  	_ =	shalt  }
0x5f: {  	_ =	shalt  }
0x60: {  	_ =	shalt  }
0x61: {  	_ =	shalt  }
0x62: {  	_ =	shalt  }
0x63: {  	_ =	shalt  }
0x64: {  	_ =	shalt  }
0x65: {  	_ =	shalt  }
0x66: {  	_ =	shalt  }
0x67: {  	_ =	shalt  }
0x68: {  	_ =	shalt  }
0x69: {  	_ =	shalt  }
0x6a: {  	_ =	shalt  }
0x6b: {  	_ =	shalt  }
0x6c: {  	_ =	shalt  }
0x6d: {  	_ =	shalt  }
0x6e: {  	_ =	shalt  }
0x6f: {  	_ =	shalt  }
0x70: {  	_ =	shalt  }
0x71: {  	_ =	shalt  }
0x72: {  	_ =	shalt  }
0x73: {  	_ =	shalt  }
0x74: {  	_ =	shalt  }
0x75: {  	_ =	shalt  }
0x76: {  	_ =	shalt  }
0x77: {  	_ =	shalt  }
0x78: {  	_ =	shalt  }
0x79: {  	_ =	shalt  }
0x7a: {  	_ =	shalt  }
0x7b: {  	_ =	shalt  }
0x7c: {  	_ =	shalt  }
0x7d: {  	_ =	shalt  }
0x7e: {  	_ =	shalt  }
0x7f: {  	_ =	shalt  }
0x80: {  	_ =	shalt  }
0x81: {  	_ =	shalt  }
0x82: {  	_ =	shalt  }
0x83: {  	_ =	shalt  }
0x84: {  	_ =	shalt  }
0x85: {  	_ =	shalt  }
0x86: {  	_ =	shalt  }
0x87: {  	_ =	shalt  }
.Lfunc_end0:
.L_simem_size_0:
called_computation_lowered:
.L_overlay_start_0:
0x88: {  	s2 =	sld [smem:$0x3FD9]  }
0x89: {  	s3 =	sld [smem:$0x3FFE];
	_ =	sdelay $0x1  }
0x8a: {  	s1 =	srdreg.scid  }
0x8b: {  	s0 =	sand.u32 $0x1, s1  }
0x8c: {  	s15 =	sshll.u32 s0, $0xA;
	s2 =	sadd.s32 s3, s2  }
0x8d: {  	s2 =	sadd.s32 s2, s15  }
0x8e: {  	[smem:$0x3FC5] =	sst s2  }
0x8f: {  	_ = 	snop  }
0x90: {  	s2 =	sld [smem:$0x3FD0];
	_ =	sdelay $0x1  }
0x91: {  	s16 =	sld [smem:$0x3FC8]  }
0x92: {  	s5 =	simm.s32 $0xA;
	s6 =	simm.s32 $0x10;
	s4 =	sld [smem:$0x3FC7]  }
0x93: {  	[smem:s6], [sflag:s5] =	dma.local [hbm:s2], $0x1  }
0x94: {  	_ =	swait.eq [sflag:s5], $0x1  }
0x95: {  	[sflag:s5] =	ssyncset.done $0x0  }
0x96: {  	[sflag:s5] =	ssyncadd.s32 $0xFFFFFFFF  }
0x97: {  	s17 =	sld [smem:$0x11];
	(tm) =	ssettm $0x1  }
0x98: {  	s18 =	sld [smem:$0x3FFB];
	_ =	sdelay $0x3  }
0x99: {  	_ =	strace s18  }
0x9a: {  	s5 =	sld [smem:$0x3FFC];
	_ =	sdelay $0x3  }
0x9b: {  	_ =	strace s5  }
0x9c: {  	s5 =	sld [smem:$0x3FFD];
	_ =	sdelay $0x3  }
0x9d: {  	_ =	strace s5  }
0x9e: {  	_ =	strace $0x8FFFFFFF  }
0x9f: {  	s19 =	sld [smem:$0x3FDB];
	_ =	sdelay $0x1  }
0xa0: {  	s20 =	simm.s32 $_scs_section_size  }
0xa1: {  	s7 =	simm.s32 $_size__tile_overlayer_lowered;
	s8 =	simm.s32 $_tile_overlayer_lowered  }
0xa2: {  	s23 =	simm.s32 $0x1BFF;
	s22 =	sshll.u32 s8, $0x1;
	s5 =	sadd.s32 s20, s19  }
0xa3: {  	s9 =	simm.s32 $0x0;
	s21 =	sshll.u32 s7, $0x1;
	s7 =	sadd.s32 s22, s5  }
0xa4: {  	[timem:s9], [sflag:s23] =	dma.local [hbm:s7], s21  }
0xa5: {  	_ =	swait.ge [sflag:s23], s21  }
0xa6: {  	s6 =	ssub.s32 $0x0, s21;
	[sflag:s23] =	ssyncset.done $0x0  }
0xa7: {  	[sflag:s23] =	ssyncadd.s32 s6;
	_ =	sdelay $0x1  }
0xa8: {  	s24 =	simm.s32 $0x1B8B  }
0xa9: {  	_ =	swait.ge [sflag:s24], $0x1  }
0xaa: {  	[sflag:s24] =	ssyncset.done $0x0  }
0xab: {  	s25 =	simm.s32 $0x1B8E;
	[sflag:s24] =	ssyncadd.s32 $0xFFFFFFFF  }
0xac: {  	s26 =	simm.s32 $execute0_lowered;
	[smem:$0x3FD2] =	sst s25  }
0xad: {  	s6 =	sshll.u32 s26, $0x1;
	_ =	strace $0x80000046;
	[dreg:$0x1] =	wrdreg $0xFFFFFFFF  }
0xae: {  	s28 =	simm.s32 $_size_execute0_lowered;
	s5 =	sadd.s32 s5, s6;
	[dreg:$0x0] =	wrdreg $0x0  }
0xaf: {  	s6 =	sshll.u32 s28, $0x1;
	[dreg:$0x2] =	wrdreg s5  }
0xb0: {  	[dreg:$0x3] =	wrdreg s6  }
0xb1: {  	[dreg:$0x4] =	wrdreg $0xC0  }
0xb2: {  	_ =	task [dreg:s9], $0x5FFFF  }
0xb3: {  	[dreg:$0x1] =	wrdreg $0xFFFFFFFF  }
0xb4: {  	[dreg:$0x0] =	wrdreg $0x60  }
0xb5: {  	[dreg:$0x2] =	wrdreg s16  }
0xb6: {  	[dreg:$0x3] =	wrdreg s4  }
0xb7: {  	[dreg:$0x4] =	wrdreg s17  }
0xb8: {  	[dreg:$0x5] =	wrdreg $0x9  }
0xb9: {  	_ =	task.clear_ibuf [dreg:s9], $0x6FFFF;
	_ =	strace $0x90000046  }
0xba: {  	s29 =	simm.s32 $0x9;
	_ =	strace $0x80000048  }
0xbb: {  	_ =	swait.ge [sflag:s29], $0x1  }
0xbc: {  	[sflag:s29] =	ssyncadd.s32 $0xFFFFFFFF  }
0xbd: {  	_ =	strace $0x90000048  }
0xbe: {  	_ =	sfence  }
0xbf: {  	s30 =	sld [smem:$0x0];
	_ =	sdelay $0x2  }
0xc0: {  	s31 =	sshll.u32 s1, $0xD;
	s1 =	sshrl.u32 s1, $0x2  }
0xc1: {  	s3 =	sand.u32 $0x4000, s31;
	s1 =	sadd.s32 s1, s30  }
0xc2: {  	s0 =	sor.u32 s3, s0;
	s1 =	sshll.u32 s1, $0x11  }
0xc3: {  	s0 =	sor.u32 s1, s0  }
0xc4: {  	s0 =	sadd.s32 $0x8F2B, s0  }
0xc5: {  	[sflag:s0] =	ssyncadd.remote.s32 $0x1  }
0xc6: {  	_ =	sfence.sel $0xFFFF  }
0xc7: {  	[dreg:$0x0] =	wrdreg $0xFFFFFFFF;
	(pc) =	sbr.abs _section_cstart, $3  }
0xc8: {  	[dreg:$0x1] =	wrdreg $0xFFFFFFFF  }
0xc9: {  	_ =	task.clear_ibuf [dreg:s9], $0x2FFFF;
	_ =	strace $0x9FFFFFFF  }
0xca: {  	(tm) =	ssettm $0x7FFFFFFF  }
0xcb: {  	_ =	shalt  }
tec
execute0_lowered:
.L_overlay_start_1:
0x0: {  	(tag) =	ssettag $0x1  }
0x1: {  	s0 =	rddreg [dreg:$0x0]  }
0x2: {  	s1 =	srdreg.scid;
	s2 =	rddreg [dreg:$0x1]  }
0x3: {  	s3 =	stileid.u32;
	s4 =	rddreg [dreg:$0x2];
	s20 =	simm.s32 $0x7  }
0x4: {  	s21 =	simm.s32 $0x80;
	s19 =	simm.s32 $0xF200;
	s28 =	simm.s32 $0x4  }
0x5: {  	s29 =	simm.s32 $0x3;
	s30 =	simm.s32 $0x5;
	s31 =	simm.s32 $0x6  }
0x6: {  	s1 =	sand.u32 $0x1, s1;
	s3 =	sshll.u32 s3, $0x1;
	s11 =	sadd.s32 $0x300, s2  }
0x7: {  	s5 =	sor.u32 s1, s3;
	s3 =	simm.s32 $0x0;
	s7 =	sshll.u32 s1, $0x6  }
0x8: {  	s1 =	ssub.s32 $0x2, s1;
	s6 =	sshll.u32 s5, $0x8;
	[smem:$0x7FF] =	sst s3  }
0x9: {  	s9 =	sshrl.u32 s1, $0x1;
	s25 =	sshll.u32 s5, $0xF;
	s8 =	sand.u32 $0x1E00, s6  }
0xa: {  	_ =	strace $0x80000047;
	s6 =	sor.u32 s7, s6;
	s1 =	ssub.s32 s1, s9  }
0xb: {  	s9 =	sadd.s32 $0x200, s2;
	s10 =	sadd.s32 s4, s25;
	s4 =	simm.s32 $0xFA00  }
0xc: {  	s25 =	simm.s32 $0x1000;
	s8 =	sor.u32 s7, s8;
	s6 =	sshrl.u32 s6, $0x3  }
0xd: {  	s12 =	sadd.s32 $0x4000, s10;
	s13 =	sadd.s32 $0x10, s10;
	s14 =	sadd.s32 $0x4010, s10  }
0xe: {  	s15 =	sadd.s32 $0x20, s10;
	s16 =	sadd.s32 $0x4020, s10;
	s17 =	sadd.s32 $0x30, s10  }
0xf: {  	s18 =	sadd.s32 $0x4030, s10;
	s26 =	smax.u32 s1, $0x1;
	s8 =	sshrl.u32 s8, $0x3  }
0x10: {  	s1 =	simm.s32 $0x0;
	[dreg:$0x8] =	wrdreg s26;
	s23 =	sadd.s32 s0, s8  }
0x11: {  	s24 =	sor.u32 $0x20, s6;
	[dreg:$0x4] =	wrdreg s23;
	s7 =	sadd.s32 $0x10, s23  }
0x12: {  	v2 =	vlaneseq.u32;
	s6 =	sor.u32 $0x30, s6;
	[dreg:$0x5] =	wrdreg s7;
	s7 =	sadd.s32 s0, s24  }
0x13: {  	vm0 =	vmmov $0xffff;
	v1 =	vshrl.u32 v2, $0x3;
	s26 =	simm.s32 $0x2;
	s0 =	sadd.s32 s0, s6;
	[dreg:$0x6] =	wrdreg s7  }
0x14: {  	v0 =	vand.u32 $0x7, v2;
	v2 =	vor.u32 $0x8, v2;
	v1 =	vmul.u32 $0x8, v1;
	s8 =	sadd.s32 $0x100, s2;
	s24 =	simm.s32 $0x1;
	[dreg:$0x7] =	wrdreg s0  }
.LBB2_1:
0x15: {  	s0 =	rddreg [dreg:$0x4]  }
0x16: {  	[tilespmem:s3], [sflag:$0x7] =	stream.linear.gather [hbm4b:s0+s3], $0x40, $0x38;
	[tilespmem:$0x18200] =	vst v63  }
0x17: {  	_ =	swait.ge [sflag:s20], $0x40  }
0x18: {  	[sflag:s20] =	ssyncset.done $0x0  }
0x19: {  	s5 =	rddreg [dreg:$0x5];
	[sflag:s20] =	ssyncadd.s32 $0xFFFFFFC0  }
0x1a: {  	[tilespmem:s21], [sflag:$0x7] =	stream.linear.gather [hbm4b:s5+s3], $0x40, $0x38;
	[tilespmem:$0x18200] =	vst v63  }
0x1b: {  	_ =	swait.ge [sflag:s20], $0x40  }
0x1c: {  	[sflag:s20] =	ssyncset.done $0x0  }
0x1d: {  	s5 =	simm.s32 $0x100;
	s6 =	rddreg [dreg:$0x6];
	[sflag:s20] =	ssyncadd.s32 $0xFFFFFFC0  }
0x1e: {  	[tilespmem:s5], [sflag:$0x7] =	stream.linear.gather [hbm4b:s6+s3], $0x40, $0x38;
	[tilespmem:$0x18200] =	vst v63  }
0x1f: {  	_ =	swait.ge [sflag:s20], $0x40  }
0x20: {  	[sflag:s20] =	ssyncset.done $0x0  }
0x21: {  	s22 =	simm.s32 $0x180;
	s7 =	rddreg [dreg:$0x7];
	[sflag:s20] =	ssyncadd.s32 $0xFFFFFFC0  }
0x22: {  	[tilespmem:s22], [sflag:$0x7] =	stream.linear.gather [hbm4b:s7+s3], $0x40, $0x38;
	[tilespmem:$0x18200] =	vst v63  }
0x23: {  	_ =	swait.ge [sflag:s20], $0x40  }
0x24: {  	[sflag:s20] =	ssyncset.done $0x0  }
0x25: {  	[sflag:s20] =	ssyncadd.s32 $0xFFFFFFC0  }
0x26: {  	v3 =	vld [tilespmem:$0x0];
	_ =	sdelay $0x4  }
0x27: {  	v4 =	vshll.u32 v3, $0x3  }
0x28: {  	v3 =	vand.u32 $0x7, v3;
	v4 =	vand.u32 $0xFFFFFFC0, v4  }
0x29: {  	v3 =	vor.u32 v3, v4  }
0x2a: {  	v4 =	vperm.xlane v3, v0;
	_ =	sdelay $0x1  }
0x2b: {  	v4 =	vadd.s32 v1, v4;
	_ =	sdelay $0x3  }
0x2c: {  	s23 =	simm.s32 $0x200  }
0x2d: {  	[tilespmem:s23], [sflag:$0x1] =	stream.indirect_vreg.gather [hbm4b:s2+s3], $0x80, v4, vm0, $0xb8;
	[tilespmem:$0x18200] =	vst v63  }
0x2e: {  	s5 =	simm.s32 $0xA00;
	v3 =	vperm.xlane v3, v2  }
0x2f: {  	[tilespmem:s5], [sflag:$0x1] =	stream.indirect_vreg.gather [hbm4b:s8+s3], $0x80, v4, vm0, $0xb8;
	[tilespmem:$0x18200] =	vst v63  }
0x30: {  	s6 =	simm.s32 $0x1200;
	v3 =	vadd.s32 v1, v3  }
0x31: {  	[tilespmem:s6], [sflag:$0x1] =	stream.indirect_vreg.gather [hbm4b:s9+s3], $0x80, v4, vm0, $0xb8;
	[tilespmem:$0x18200] =	vst v63  }
0x32: {  	s7 =	simm.s32 $0x1A00  }
0x33: {  	[tilespmem:s7], [sflag:$0x1] =	stream.indirect_vreg.gather [hbm4b:s11+s3], $0x80, v4, vm0, $0xb8;
	[tilespmem:$0x18200] =	vst v63  }
0x34: {  	s22 =	simm.s32 $0x2200  }
0x35: {  	[tilespmem:s22], [sflag:$0x1] =	stream.indirect_vreg.gather [hbm4b:s2+s3], $0x80, v3, vm0, $0xb8;
	[tilespmem:$0x18200] =	vst v63  }
0x36: {  	s23 =	simm.s32 $0x2A00  }
0x37: {  	[tilespmem:s23], [sflag:$0x1] =	stream.indirect_vreg.gather [hbm4b:s8+s3], $0x80, v3, vm0, $0xb8;
	[tilespmem:$0x18200] =	vst v63  }
0x38: {  	s5 =	simm.s32 $0x3200  }
0x39: {  	[tilespmem:s5], [sflag:$0x1] =	stream.indirect_vreg.gather [hbm4b:s9+s3], $0x80, v3, vm0, $0xb8;
	[tilespmem:$0x18200] =	vst v63  }
0x3a: {  	s6 =	simm.s32 $0x3A00  }
0x3b: {  	[tilespmem:s6], [sflag:$0x1] =	stream.indirect_vreg.gather [hbm4b:s11+s3], $0x80, v3, vm0, $0xb8;
	[tilespmem:$0x18200] =	vst v63  }
0x3c: {  	v3 =	vld [tilespmem:$0x10];
	_ =	sdelay $0x4  }
0x3d: {  	v59 =	vshll.u32 v3, $0x3  }
0x3e: {  	v3 =	vand.u32 $0x7, v3;
	v4 =	vand.u32 $0xFFFFFFC0, v59  }
0x3f: {  	v3 =	vor.u32 v3, v4  }
0x40: {  	v4 =	vperm.xlane v3, v0;
	_ =	sdelay $0x1  }
0x41: {  	v4 =	vadd.s32 v1, v4;
	_ =	sdelay $0x3  }
0x42: {  	s7 =	simm.s32 $0x4200  }
0x43: {  	[tilespmem:s7], [sflag:$0x1] =	stream.indirect_vreg.gather [hbm4b:s2+s3], $0x80, v4, vm0, $0xb8;
	[tilespmem:$0x18200] =	vst v63  }
0x44: {  	s22 =	simm.s32 $0x4A00;
	v3 =	vperm.xlane v3, v2  }
0x45: {  	[tilespmem:s22], [sflag:$0x1] =	stream.indirect_vreg.gather [hbm4b:s8+s3], $0x80, v4, vm0, $0xb8;
	[tilespmem:$0x18200] =	vst v63  }
0x46: {  	s23 =	simm.s32 $0x5200;
	v3 =	vadd.s32 v1, v3  }
0x47: {  	[tilespmem:s23], [sflag:$0x1] =	stream.indirect_vreg.gather [hbm4b:s9+s3], $0x80, v4, vm0, $0xb8;
	[tilespmem:$0x18200] =	vst v63  }
0x48: {  	s5 =	simm.s32 $0x5A00  }
0x49: {  	[tilespmem:s5], [sflag:$0x1] =	stream.indirect_vreg.gather [hbm4b:s11+s3], $0x80, v4, vm0, $0xb8;
	[tilespmem:$0x18200] =	vst v63  }
0x4a: {  	s6 =	simm.s32 $0x6200  }
0x4b: {  	[tilespmem:s6], [sflag:$0x1] =	stream.indirect_vreg.gather [hbm4b:s2+s3], $0x80, v3, vm0, $0xb8;
	[tilespmem:$0x18200] =	vst v63  }
0x4c: {  	s7 =	simm.s32 $0x6A00  }
0x4d: {  	[tilespmem:s7], [sflag:$0x1] =	stream.indirect_vreg.gather [hbm4b:s8+s3], $0x80, v3, vm0, $0xb8;
	[tilespmem:$0x18200] =	vst v63  }
0x4e: {  	s22 =	simm.s32 $0x7200  }
0x4f: {  	[tilespmem:s22], [sflag:$0x1] =	stream.indirect_vreg.gather [hbm4b:s9+s3], $0x80, v3, vm0, $0xb8;
	[tilespmem:$0x18200] =	vst v63  }
0x50: {  	s23 =	simm.s32 $0x7A00  }
0x51: {  	[tilespmem:s23], [sflag:$0x1] =	stream.indirect_vreg.gather [hbm4b:s11+s3], $0x80, v3, vm0, $0xb8;
	[tilespmem:$0x18200] =	vst v63  }
0x52: {  	v3 =	vld [tilespmem:$0x20];
	_ =	sdelay $0x4  }
0x53: {  	v60 =	vshll.u32 v3, $0x3  }
0x54: {  	v3 =	vand.u32 $0x7, v3;
	v4 =	vand.u32 $0xFFFFFFC0, v60  }
0x55: {  	v3 =	vor.u32 v3, v4  }
0x56: {  	v4 =	vperm.xlane v3, v0;
	_ =	sdelay $0x1  }
0x57: {  	v4 =	vadd.s32 v1, v4;
	_ =	sdelay $0x3  }
0x58: {  	s5 =	simm.s32 $0x8200  }
0x59: {  	[tilespmem:s5], [sflag:$0x2] =	stream.indirect_vreg.gather [hbm4b:s2+s3], $0x80, v4, vm0, $0xb8;
	[tilespmem:$0x18200] =	vst v63  }
0x5a: {  	s6 =	simm.s32 $0x8A00;
	v3 =	vperm.xlane v3, v2  }
0x5b: {  	[tilespmem:s6], [sflag:$0x2] =	stream.indirect_vreg.gather [hbm4b:s8+s3], $0x80, v4, vm0, $0xb8;
	[tilespmem:$0x18200] =	vst v63  }
0x5c: {  	s7 =	simm.s32 $0x9200;
	v3 =	vadd.s32 v1, v3  }
0x5d: {  	[tilespmem:s7], [sflag:$0x2] =	stream.indirect_vreg.gather [hbm4b:s9+s3], $0x80, v4, vm0, $0xb8;
	[tilespmem:$0x18200] =	vst v63  }
0x5e: {  	s22 =	simm.s32 $0x9A00  }
0x5f: {  	[tilespmem:s22], [sflag:$0x2] =	stream.indirect_vreg.gather [hbm4b:s11+s3], $0x80, v4, vm0, $0xb8;
	[tilespmem:$0x18200] =	vst v63  }
0x60: {  	s23 =	simm.s32 $0xA200  }
0x61: {  	[tilespmem:s23], [sflag:$0x2] =	stream.indirect_vreg.gather [hbm4b:s2+s3], $0x80, v3, vm0, $0xb8;
	[tilespmem:$0x18200] =	vst v63  }
0x62: {  	s5 =	simm.s32 $0xAA00  }
0x63: {  	[tilespmem:s5], [sflag:$0x2] =	stream.indirect_vreg.gather [hbm4b:s8+s3], $0x80, v3, vm0, $0xb8;
	[tilespmem:$0x18200] =	vst v63  }
0x64: {  	s6 =	simm.s32 $0xB200  }
0x65: {  	[tilespmem:s6], [sflag:$0x2] =	stream.indirect_vreg.gather [hbm4b:s9+s3], $0x80, v3, vm0, $0xb8;
	[tilespmem:$0x18200] =	vst v63  }
0x66: {  	s7 =	simm.s32 $0xBA00  }
0x67: {  	[tilespmem:s7], [sflag:$0x2] =	stream.indirect_vreg.gather [hbm4b:s11+s3], $0x80, v3, vm0, $0xb8;
	[tilespmem:$0x18200] =	vst v63  }
0x68: {  	v3 =	vld [tilespmem:$0x30];
	_ =	sdelay $0x4  }
0x69: {  	v61 =	vshll.u32 v3, $0x3  }
0x6a: {  	v3 =	vand.u32 $0x7, v3;
	v4 =	vand.u32 $0xFFFFFFC0, v61  }
0x6b: {  	v3 =	vor.u32 v3, v4  }
0x6c: {  	v4 =	vperm.xlane v3, v0;
	_ =	sdelay $0x1  }
0x6d: {  	v4 =	vadd.s32 v1, v4;
	_ =	sdelay $0x3  }
0x6e: {  	s22 =	simm.s32 $0xC200  }
0x6f: {  	[tilespmem:s22], [sflag:$0x2] =	stream.indirect_vreg.gather [hbm4b:s2+s3], $0x80, v4, vm0, $0xb8;
	[tilespmem:$0x18200] =	vst v63  }
0x70: {  	s23 =	simm.s32 $0xCA00;
	v3 =	vperm.xlane v3, v2  }
0x71: {  	[tilespmem:s23], [sflag:$0x2] =	stream.indirect_vreg.gather [hbm4b:s8+s3], $0x80, v4, vm0, $0xb8;
	[tilespmem:$0x18200] =	vst v63  }
0x72: {  	s5 =	simm.s32 $0xD200;
	v3 =	vadd.s32 v1, v3  }
0x73: {  	[tilespmem:s5], [sflag:$0x2] =	stream.indirect_vreg.gather [hbm4b:s9+s3], $0x80, v4, vm0, $0xb8;
	[tilespmem:$0x18200] =	vst v63  }
0x74: {  	s6 =	simm.s32 $0xDA00  }
0x75: {  	[tilespmem:s6], [sflag:$0x2] =	stream.indirect_vreg.gather [hbm4b:s11+s3], $0x80, v4, vm0, $0xb8;
	[tilespmem:$0x18200] =	vst v63  }
0x76: {  	s7 =	simm.s32 $0xE200  }
0x77: {  	[tilespmem:s7], [sflag:$0x2] =	stream.indirect_vreg.gather [hbm4b:s2+s3], $0x80, v3, vm0, $0xb8;
	[tilespmem:$0x18200] =	vst v63  }
0x78: {  	s22 =	simm.s32 $0xEA00  }
0x79: {  	[tilespmem:s22], [sflag:$0x2] =	stream.indirect_vreg.gather [hbm4b:s8+s3], $0x80, v3, vm0, $0xb8;
	[tilespmem:$0x18200] =	vst v63  }
0x7a: {  	_ = 	snop  }
0x7b: {  	[tilespmem:s19], [sflag:$0x2] =	stream.indirect_vreg.gather [hbm4b:s9+s3], $0x80, v3, vm0, $0xb8;
	[tilespmem:$0x18200] =	vst v63  }
0x7c: {  	_ = 	snop  }
0x7d: {  	[tilespmem:s4], [sflag:$0x2] =	stream.indirect_vreg.gather [hbm4b:s11+s3], $0x80, v3, vm0, $0xb8;
	[tilespmem:$0x18200] =	vst v63  }
0x7e: {  	v3 =	vld [tilespmem:$0x80];
	_ =	sdelay $0x4  }
0x7f: {  	v62 =	vshll.u32 v3, $0x3  }
0x80: {  	v3 =	vand.u32 $0x7, v3;
	v4 =	vand.u32 $0xFFFFFFC0, v62  }
0x81: {  	v3 =	vor.u32 v3, v4  }
0x82: {  	v4 =	vperm.xlane v3, v0;
	_ =	sdelay $0x1  }
0x83: {  	v4 =	vadd.s32 v1, v4;
	_ =	sdelay $0x3  }
0x84: {  	s23 =	simm.s32 $0x10200  }
0x85: {  	[tilespmem:s23], [sflag:$0x3] =	stream.indirect_vreg.gather [hbm4b:s2+s3], $0x80, v4, vm0, $0xb8;
	[tilespmem:$0x18200] =	vst v63  }
0x86: {  	s5 =	simm.s32 $0x10A00;
	v3 =	vperm.xlane v3, v2  }
0x87: {  	[tilespmem:s5], [sflag:$0x3] =	stream.indirect_vreg.gather [hbm4b:s8+s3], $0x80, v4, vm0, $0xb8;
	[tilespmem:$0x18200] =	vst v63  }
0x88: {  	s6 =	simm.s32 $0x11200;
	v3 =	vadd.s32 v1, v3  }
0x89: {  	[tilespmem:s6], [sflag:$0x3] =	stream.indirect_vreg.gather [hbm4b:s9+s3], $0x80, v4, vm0, $0xb8;
	[tilespmem:$0x18200] =	vst v63  }
0x8a: {  	s7 =	simm.s32 $0x11A00  }
0x8b: {  	[tilespmem:s7], [sflag:$0x3] =	stream.indirect_vreg.gather [hbm4b:s11+s3], $0x80, v4, vm0, $0xb8;
	[tilespmem:$0x18200] =	vst v63  }
0x8c: {  	s22 =	simm.s32 $0x12200  }
0x8d: {  	[tilespmem:s22], [sflag:$0x3] =	stream.indirect_vreg.gather [hbm4b:s2+s3], $0x80, v3, vm0, $0xb8;
	[tilespmem:$0x18200] =	vst v63  }
0x8e: {  	s23 =	simm.s32 $0x12A00  }
0x8f: {  	[tilespmem:s23], [sflag:$0x3] =	stream.indirect_vreg.gather [hbm4b:s8+s3], $0x80, v3, vm0, $0xb8;
	[tilespmem:$0x18200] =	vst v63  }
0x90: {  	s5 =	simm.s32 $0x13200  }
0x91: {  	[tilespmem:s5], [sflag:$0x3] =	stream.indirect_vreg.gather [hbm4b:s9+s3], $0x80, v3, vm0, $0xb8;
	[tilespmem:$0x18200] =	vst v63  }
0x92: {  	s6 =	simm.s32 $0x13A00  }
0x93: {  	[tilespmem:s6], [sflag:$0x3] =	stream.indirect_vreg.gather [hbm4b:s11+s3], $0x80, v3, vm0, $0xb8;
	[tilespmem:$0x18200] =	vst v63  }
0x94: {  	v3 =	vld [tilespmem:$0x90];
	_ =	sdelay $0x4  }
0x95: {  	v63 =	vshll.u32 v3, $0x3  }
0x96: {  	v3 =	vand.u32 $0x7, v3;
	v4 =	vand.u32 $0xFFFFFFC0, v63  }
0x97: {  	v3 =	vor.u32 v3, v4  }
0x98: {  	v4 =	vperm.xlane v3, v0;
	_ =	sdelay $0x1  }
0x99: {  	v4 =	vadd.s32 v1, v4;
	_ =	sdelay $0x3  }
0x9a: {  	s7 =	simm.s32 $0x14200  }
0x9b: {  	[tilespmem:s7], [sflag:$0x3] =	stream.indirect_vreg.gather [hbm4b:s2+s3], $0x80, v4, vm0, $0xb8;
	[tilespmem:$0x18200] =	vst v63  }
0x9c: {  	s22 =	simm.s32 $0x14A00;
	v3 =	vperm.xlane v3, v2  }
0x9d: {  	[tilespmem:s22], [sflag:$0x3] =	stream.indirect_vreg.gather [hbm4b:s8+s3], $0x80, v4, vm0, $0xb8;
	[tilespmem:$0x18200] =	vst v63  }
0x9e: {  	s23 =	simm.s32 $0x15200;
	v3 =	vadd.s32 v1, v3  }
0x9f: {  	[tilespmem:s23], [sflag:$0x3] =	stream.indirect_vreg.gather [hbm4b:s9+s3], $0x80, v4, vm0, $0xb8;
	[tilespmem:$0x18200] =	vst v63  }
0xa0: {  	s5 =	simm.s32 $0x15A00  }
0xa1: {  	[tilespmem:s5], [sflag:$0x3] =	stream.indirect_vreg.gather [hbm4b:s11+s3], $0x80, v4, vm0, $0xb8;
	[tilespmem:$0x18200] =	vst v63  }
0xa2: {  	s6 =	simm.s32 $0x16200  }
0xa3: {  	[tilespmem:s6], [sflag:$0x3] =	stream.indirect_vreg.gather [hbm4b:s2+s3], $0x80, v3, vm0, $0xb8;
	[tilespmem:$0x18200] =	vst v63  }
0xa4: {  	s7 =	simm.s32 $0x16A00  }
0xa5: {  	[tilespmem:s7], [sflag:$0x3] =	stream.indirect_vreg.gather [hbm4b:s8+s3], $0x80, v3, vm0, $0xb8;
	[tilespmem:$0x18200] =	vst v63  }
0xa6: {  	s22 =	simm.s32 $0x17200  }
0xa7: {  	[tilespmem:s22], [sflag:$0x3] =	stream.indirect_vreg.gather [hbm4b:s9+s3], $0x80, v3, vm0, $0xb8;
	[tilespmem:$0x18200] =	vst v63  }
0xa8: {  	s23 =	simm.s32 $0x17A00  }
0xa9: {  	[tilespmem:s23], [sflag:$0x3] =	stream.indirect_vreg.gather [hbm4b:s11+s3], $0x80, v3, vm0, $0xb8;
	[tilespmem:$0x18200] =	vst v63  }
0xaa: {  	_ =	swait.ge [sflag:s24], $0x8000  }
0xab: {  	[sflag:s24] =	ssyncset.done $0x0  }
0xac: {  	s5 =	simm.s32 $0x200;
	[sflag:s24] =	ssyncadd.s32 $0xFFFF8000  }
0xad: {  	[hbm4b:s10+s21] =	stream.strided.scatter [tilespmem:s5], [sflag:$0x4], $0x400, s25, s21, $0x38;
	[tilespmem:$0x18200] =	vst v63  }
0xae: {  	s6 =	simm.s32 $0x600;
	s7 =	sadd.s32 $0x40, s10  }
0xaf: {  	[hbm4b:s7+s21] =	stream.strided.scatter [tilespmem:s6], [sflag:$0x4], $0x400, s25, s21, $0x38;
	[tilespmem:$0x18200] =	vst v63  }
0xb0: {  	s22 =	simm.s32 $0xA00;
	s23 =	sadd.s32 $0x80, s10  }
0xb1: {  	[hbm4b:s23+s21] =	stream.strided.scatter [tilespmem:s22], [sflag:$0x4], $0x400, s25, s21, $0x38;
	[tilespmem:$0x18200] =	vst v63  }
0xb2: {  	s6 =	simm.s32 $0xE00;
	s7 =	sadd.s32 $0xC0, s10  }
0xb3: {  	[hbm4b:s7+s21] =	stream.strided.scatter [tilespmem:s6], [sflag:$0x4], $0x400, s25, s21, $0x38;
	[tilespmem:$0x18200] =	vst v63  }
0xb4: {  	s22 =	simm.s32 $0x1200;
	s23 =	sadd.s32 $0x100, s10  }
0xb5: {  	[hbm4b:s23+s21] =	stream.strided.scatter [tilespmem:s22], [sflag:$0x4], $0x400, s25, s21, $0x38;
	[tilespmem:$0x18200] =	vst v63  }
0xb6: {  	s0 =	simm.s32 $0x2000;
	s6 =	simm.s32 $0x1600;
	s7 =	sadd.s32 $0x140, s10  }
0xb7: {  	[hbm4b:s7+s21] =	stream.strided.scatter [tilespmem:s6], [sflag:$0x4], $0x400, s25, s21, $0x38;
	[tilespmem:$0x18200] =	vst v63  }
0xb8: {  	s5 =	simm.s32 $0x1E00;
	s22 =	simm.s32 $0x1A00;
	s23 =	sadd.s32 $0x180, s10  }
0xb9: {  	[hbm4b:s23+s21] =	stream.strided.scatter [tilespmem:s22], [sflag:$0x4], $0x400, s25, s21, $0x38;
	[tilespmem:$0x18200] =	vst v63  }
0xba: {  	s6 =	sadd.s32 $0x1C0, s10;
	s23 =	simm.s32 $0x10000;
	s22 =	sadd.s32 $0x1000, s10  }
.LBB2_2:
0xbb: {  	[hbm4b:s6+s21] =	stream.strided.scatter [tilespmem:s5], [sflag:$0x4], $0x400, s25, s21, $0x38;
	[tilespmem:$0x18200] =	vst v63  }
0xbc: {  	s5 =	smov.u32 s0;
	s0 =	smov.u32 s23  }
0xbd: {  	s7 =	sadd.s32 $0x8000, s23;
	s0 =	sshra.s32 s0, $0x2;
	s6 =	sadd.s32 $0x200, s5  }
0xbe: {  	[hbm4b:s22+s21] =	stream.strided.scatter [tilespmem:s6], [sflag:$0x4], $0x400, s25, s21, $0x38;
	[tilespmem:$0x18200] =	vst v63  }
0xbf: {  	p0 =	sne.s32 s23, $0x18000;
	s23 =	sadd.s32 $0x40, s22;
	s6 =	sadd.s32 $0x600, s5  }
0xc0: {  	[hbm4b:s23+s21] =	stream.strided.scatter [tilespmem:s6], [sflag:$0x4], $0x400, s25, s21, $0x38;
	[tilespmem:$0x18200] =	vst v63  }
0xc1: {  	s6 =	sadd.s32 $0xA00, s5;
	s23 =	sadd.s32 $0x80, s22  }
0xc2: {  	[hbm4b:s23+s21] =	stream.strided.scatter [tilespmem:s6], [sflag:$0x4], $0x400, s25, s21, $0x38;
	[tilespmem:$0x18200] =	vst v63  }
0xc3: {  	s6 =	sadd.s32 $0xE00, s5;
	s23 =	sadd.s32 $0xC0, s22  }
0xc4: {  	[hbm4b:s23+s21] =	stream.strided.scatter [tilespmem:s6], [sflag:$0x4], $0x400, s25, s21, $0x38;
	[tilespmem:$0x18200] =	vst v63  }
0xc5: {  	s6 =	sadd.s32 $0x1200, s5;
	s23 =	sadd.s32 $0x100, s22  }
0xc6: {  	[hbm4b:s23+s21] =	stream.strided.scatter [tilespmem:s6], [sflag:$0x4], $0x400, s25, s21, $0x38;
	[tilespmem:$0x18200] =	vst v63  }
.Ltmp0:
0xc7: {  	s6 =	sadd.s32 $0x1600, s5;
	s23 =	sadd.s32 $0x140, s22;
	(pc) =	sbr.rel @p0 .LBB2_2-.Ltmp0, $4  }
0xc8: {  	[hbm4b:s23+s21] =	stream.strided.scatter [tilespmem:s6], [sflag:$0x4], $0x400, s25, s21, $0x38;
	[tilespmem:$0x18200] =	vst v63  }
0xc9: {  	s6 =	sadd.s32 $0x1A00, s5;
	s23 =	sadd.s32 $0x180, s22;
	s5 =	sadd.s32 $0x1E00, s5  }
0xca: {  	[hbm4b:s23+s21] =	stream.strided.scatter [tilespmem:s6], [sflag:$0x4], $0x400, s25, s21, $0x38;
	[tilespmem:$0x18200] =	vst v63  }
0xcb: {  	s6 =	sadd.s32 $0x1C0, s22;
	s22 =	sadd.s32 $0x1000, s22;
	s23 =	smov.u32 s7  }
0xcc: {  	[hbm4b:s6+s21] =	stream.strided.scatter [tilespmem:s5], [sflag:$0x4], $0x400, s25, s21, $0x38;
	[tilespmem:$0x18200] =	vst v63  }
0xcd: {  	s6 =	sadd.s32 $0x200, s0  }
0xce: {  	[hbm4b:s22+s21] =	stream.strided.scatter [tilespmem:s6], [sflag:$0x4], $0x400, s25, s21, $0x38;
	[tilespmem:$0x18200] =	vst v63  }
0xcf: {  	s7 =	sadd.s32 $0x600, s0;
	s23 =	sadd.s32 $0x40, s22  }
0xd0: {  	[hbm4b:s23+s21] =	stream.strided.scatter [tilespmem:s7], [sflag:$0x4], $0x400, s25, s21, $0x38;
	[tilespmem:$0x18200] =	vst v63  }
0xd1: {  	s7 =	sadd.s32 $0xA00, s0;
	s23 =	sadd.s32 $0x80, s22  }
0xd2: {  	[hbm4b:s23+s21] =	stream.strided.scatter [tilespmem:s7], [sflag:$0x4], $0x400, s25, s21, $0x38;
	[tilespmem:$0x18200] =	vst v63  }
0xd3: {  	s7 =	sadd.s32 $0xE00, s0;
	s23 =	sadd.s32 $0xC0, s22  }
0xd4: {  	[hbm4b:s23+s21] =	stream.strided.scatter [tilespmem:s7], [sflag:$0x4], $0x400, s25, s21, $0x38;
	[tilespmem:$0x18200] =	vst v63  }
0xd5: {  	s7 =	sadd.s32 $0x1200, s0;
	s23 =	sadd.s32 $0x100, s22  }
0xd6: {  	[hbm4b:s23+s21] =	stream.strided.scatter [tilespmem:s7], [sflag:$0x4], $0x400, s25, s21, $0x38;
	[tilespmem:$0x18200] =	vst v63  }
0xd7: {  	s7 =	sadd.s32 $0x1600, s0;
	s23 =	sadd.s32 $0x140, s22  }
0xd8: {  	[hbm4b:s23+s21] =	stream.strided.scatter [tilespmem:s7], [sflag:$0x4], $0x400, s25, s21, $0x38;
	[tilespmem:$0x18200] =	vst v63  }
0xd9: {  	s7 =	sadd.s32 $0x1A00, s0;
	s23 =	sadd.s32 $0x180, s22  }
0xda: {  	[hbm4b:s23+s21] =	stream.strided.scatter [tilespmem:s7], [sflag:$0x4], $0x400, s25, s21, $0x38;
	[tilespmem:$0x18200] =	vst v63  }
0xdb: {  	s7 =	sadd.s32 $0x1E00, s0;
	s23 =	sadd.s32 $0x1C0, s22  }
0xdc: {  	[hbm4b:s23+s21] =	stream.strided.scatter [tilespmem:s7], [sflag:$0x4], $0x400, s25, s21, $0x38;
	[tilespmem:$0x18200] =	vst v63  }
0xdd: {  	_ =	swait.ge [sflag:s26], $0x8000  }
0xde: {  	[sflag:s26] =	ssyncset.done $0x0  }
0xdf: {  	s5 =	simm.s32 $0x8200;
	[sflag:s26] =	ssyncadd.s32 $0xFFFF8000  }
0xe0: {  	[hbm4b:s12+s21] =	stream.strided.scatter [tilespmem:s5], [sflag:$0x5], $0x400, s25, s21, $0x38;
	[tilespmem:$0x18200] =	vst v63  }
0xe1: {  	s6 =	simm.s32 $0x8600;
	s7 =	sadd.s32 $0x40, s12  }
0xe2: {  	[hbm4b:s7+s21] =	stream.strided.scatter [tilespmem:s6], [sflag:$0x5], $0x400, s25, s21, $0x38;
	[tilespmem:$0x18200] =	vst v63  }
0xe3: {  	s22 =	simm.s32 $0x8A00;
	s23 =	sadd.s32 $0x80, s12  }
0xe4: {  	[hbm4b:s23+s21] =	stream.strided.scatter [tilespmem:s22], [sflag:$0x5], $0x400, s25, s21, $0x38;
	[tilespmem:$0x18200] =	vst v63  }
0xe5: {  	s6 =	simm.s32 $0x8E00;
	s7 =	sadd.s32 $0xC0, s12  }
0xe6: {  	[hbm4b:s7+s21] =	stream.strided.scatter [tilespmem:s6], [sflag:$0x5], $0x400, s25, s21, $0x38;
	[tilespmem:$0x18200] =	vst v63  }
0xe7: {  	s22 =	simm.s32 $0x9200;
	s23 =	sadd.s32 $0x100, s12  }
0xe8: {  	[hbm4b:s23+s21] =	stream.strided.scatter [tilespmem:s22], [sflag:$0x5], $0x400, s25, s21, $0x38;
	[tilespmem:$0x18200] =	vst v63  }
0xe9: {  	s0 =	simm.s32 $0x2000;
	s6 =	simm.s32 $0x9600;
	s7 =	sadd.s32 $0x140, s12  }
0xea: {  	[hbm4b:s7+s21] =	stream.strided.scatter [tilespmem:s6], [sflag:$0x5], $0x400, s25, s21, $0x38;
	[tilespmem:$0x18200] =	vst v63  }
0xeb: {  	s5 =	simm.s32 $0x9E00;
	s22 =	simm.s32 $0x9A00;
	s23 =	sadd.s32 $0x180, s12  }
0xec: {  	[hbm4b:s23+s21] =	stream.strided.scatter [tilespmem:s22], [sflag:$0x5], $0x400, s25, s21, $0x38;
	[tilespmem:$0x18200] =	vst v63  }
0xed: {  	s6 =	sadd.s32 $0x1C0, s12;
	s23 =	simm.s32 $0x10000;
	s22 =	sadd.s32 $0x1000, s12  }
.LBB2_4:
0xee: {  	[hbm4b:s6+s21] =	stream.strided.scatter [tilespmem:s5], [sflag:$0x5], $0x400, s25, s21, $0x38;
	[tilespmem:$0x18200] =	vst v63  }
0xef: {  	s5 =	smov.u32 s0;
	s0 =	smov.u32 s23  }
0xf0: {  	s7 =	sadd.s32 $0x8000, s23;
	s0 =	sshra.s32 s0, $0x2;
	s6 =	sadd.s32 $0x8200, s5  }
0xf1: {  	[hbm4b:s22+s21] =	stream.strided.scatter [tilespmem:s6], [sflag:$0x5], $0x400, s25, s21, $0x38;
	[tilespmem:$0x18200] =	vst v63  }
0xf2: {  	p0 =	sne.s32 s23, $0x18000;
	s23 =	sadd.s32 $0x40, s22;
	s6 =	sadd.s32 $0x8600, s5  }
0xf3: {  	[hbm4b:s23+s21] =	stream.strided.scatter [tilespmem:s6], [sflag:$0x5], $0x400, s25, s21, $0x38;
	[tilespmem:$0x18200] =	vst v63  }
0xf4: {  	s6 =	sadd.s32 $0x8A00, s5;
	s23 =	sadd.s32 $0x80, s22  }
0xf5: {  	[hbm4b:s23+s21] =	stream.strided.scatter [tilespmem:s6], [sflag:$0x5], $0x400, s25, s21, $0x38;
	[tilespmem:$0x18200] =	vst v63  }
0xf6: {  	s6 =	sadd.s32 $0x8E00, s5;
	s23 =	sadd.s32 $0xC0, s22  }
0xf7: {  	[hbm4b:s23+s21] =	stream.strided.scatter [tilespmem:s6], [sflag:$0x5], $0x400, s25, s21, $0x38;
	[tilespmem:$0x18200] =	vst v63  }
0xf8: {  	s6 =	sadd.s32 $0x9200, s5;
	s23 =	sadd.s32 $0x100, s22  }
0xf9: {  	[hbm4b:s23+s21] =	stream.strided.scatter [tilespmem:s6], [sflag:$0x5], $0x400, s25, s21, $0x38;
	[tilespmem:$0x18200] =	vst v63  }
.Ltmp1:
0xfa: {  	s6 =	sadd.s32 $0x9600, s5;
	s23 =	sadd.s32 $0x140, s22;
	(pc) =	sbr.rel @p0 .LBB2_4-.Ltmp1, $4  }
0xfb: {  	[hbm4b:s23+s21] =	stream.strided.scatter [tilespmem:s6], [sflag:$0x5], $0x400, s25, s21, $0x38;
	[tilespmem:$0x18200] =	vst v63  }
0xfc: {  	s6 =	sadd.s32 $0x9A00, s5;
	s23 =	sadd.s32 $0x180, s22;
	s5 =	sadd.s32 $0x9E00, s5  }
0xfd: {  	[hbm4b:s23+s21] =	stream.strided.scatter [tilespmem:s6], [sflag:$0x5], $0x400, s25, s21, $0x38;
	[tilespmem:$0x18200] =	vst v63  }
0xfe: {  	s6 =	sadd.s32 $0x1C0, s22;
	s22 =	sadd.s32 $0x1000, s22;
	s23 =	smov.u32 s7  }
0xff: {  	[hbm4b:s6+s21] =	stream.strided.scatter [tilespmem:s5], [sflag:$0x5], $0x400, s25, s21, $0x38;
	[tilespmem:$0x18200] =	vst v63  }
0x100: {  	s6 =	sadd.s32 $0x8200, s0  }
0x101: {  	[hbm4b:s22+s21] =	stream.strided.scatter [tilespmem:s6], [sflag:$0x5], $0x400, s25, s21, $0x38;
	[tilespmem:$0x18200] =	vst v63  }
0x102: {  	s7 =	sadd.s32 $0x8600, s0;
	s23 =	sadd.s32 $0x40, s22  }
0x103: {  	[hbm4b:s23+s21] =	stream.strided.scatter [tilespmem:s7], [sflag:$0x5], $0x400, s25, s21, $0x38;
	[tilespmem:$0x18200] =	vst v63  }
0x104: {  	s7 =	sadd.s32 $0x8A00, s0;
	s23 =	sadd.s32 $0x80, s22  }
0x105: {  	[hbm4b:s23+s21] =	stream.strided.scatter [tilespmem:s7], [sflag:$0x5], $0x400, s25, s21, $0x38;
	[tilespmem:$0x18200] =	vst v63  }
0x106: {  	s7 =	sadd.s32 $0x8E00, s0;
	s23 =	sadd.s32 $0xC0, s22  }
0x107: {  	[hbm4b:s23+s21] =	stream.strided.scatter [tilespmem:s7], [sflag:$0x5], $0x400, s25, s21, $0x38;
	[tilespmem:$0x18200] =	vst v63  }
0x108: {  	s7 =	sadd.s32 $0x9200, s0;
	s23 =	sadd.s32 $0x100, s22  }
0x109: {  	[hbm4b:s23+s21] =	stream.strided.scatter [tilespmem:s7], [sflag:$0x5], $0x400, s25, s21, $0x38;
	[tilespmem:$0x18200] =	vst v63  }
0x10a: {  	s7 =	sadd.s32 $0x9600, s0;
	s23 =	sadd.s32 $0x140, s22  }
0x10b: {  	[hbm4b:s23+s21] =	stream.strided.scatter [tilespmem:s7], [sflag:$0x5], $0x400, s25, s21, $0x38;
	[tilespmem:$0x18200] =	vst v63  }
0x10c: {  	s7 =	sadd.s32 $0x9A00, s0;
	s23 =	sadd.s32 $0x180, s22  }
0x10d: {  	[hbm4b:s23+s21] =	stream.strided.scatter [tilespmem:s7], [sflag:$0x5], $0x400, s25, s21, $0x38;
	[tilespmem:$0x18200] =	vst v63  }
0x10e: {  	s7 =	sadd.s32 $0x9E00, s0;
	s23 =	sadd.s32 $0x1C0, s22  }
0x10f: {  	[hbm4b:s23+s21] =	stream.strided.scatter [tilespmem:s7], [sflag:$0x5], $0x400, s25, s21, $0x38;
	[tilespmem:$0x18200] =	vst v63  }
0x110: {  	_ =	swait.ge [sflag:s28], $0x8000  }
0x111: {  	[sflag:s28] =	ssyncset.done $0x0  }
0x112: {  	[sflag:s28] =	ssyncadd.s32 $0xFFFF8000  }
0x113: {  	v3 =	vld [tilespmem:$0xA0];
	_ =	sdelay $0x4  }
0x114: {  	v4 =	vshll.u32 v3, $0x3  }
0x115: {  	v3 =	vand.u32 $0x7, v3;
	v4 =	vand.u32 $0xFFFFFFC0, v4  }
0x116: {  	v3 =	vor.u32 v3, v4  }
0x117: {  	v4 =	vperm.xlane v3, v0;
	_ =	sdelay $0x1  }
0x118: {  	v4 =	vadd.s32 v1, v4;
	_ =	sdelay $0x3  }
0x119: {  	s6 =	simm.s32 $0x200;
	s0 =	simm.s32 $0x0  }
0x11a: {  	[tilespmem:s6], [sflag:$0x1] =	stream.indirect_vreg.gather [hbm4b:s2+s0], $0x80, v4, vm0, $0xb8;
	[tilespmem:$0x18200] =	vst v63  }
0x11b: {  	s7 =	simm.s32 $0xA00;
	v3 =	vperm.xlane v3, v2  }
0x11c: {  	[tilespmem:s7], [sflag:$0x1] =	stream.indirect_vreg.gather [hbm4b:s8+s0], $0x80, v4, vm0, $0xb8;
	[tilespmem:$0x18200] =	vst v63  }
0x11d: {  	s22 =	simm.s32 $0x1200;
	v3 =	vadd.s32 v1, v3  }
0x11e: {  	[tilespmem:s22], [sflag:$0x1] =	stream.indirect_vreg.gather [hbm4b:s9+s0], $0x80, v4, vm0, $0xb8;
	[tilespmem:$0x18200] =	vst v63  }
0x11f: {  	s23 =	simm.s32 $0x1A00  }
0x120: {  	[tilespmem:s23], [sflag:$0x1] =	stream.indirect_vreg.gather [hbm4b:s11+s0], $0x80, v4, vm0, $0xb8;
	[tilespmem:$0x18200] =	vst v63  }
0x121: {  	s6 =	simm.s32 $0x2200  }
0x122: {  	[tilespmem:s6], [sflag:$0x1] =	stream.indirect_vreg.gather [hbm4b:s2+s0], $0x80, v3, vm0, $0xb8;
	[tilespmem:$0x18200] =	vst v63  }
0x123: {  	s7 =	simm.s32 $0x2A00  }
0x124: {  	[tilespmem:s7], [sflag:$0x1] =	stream.indirect_vreg.gather [hbm4b:s8+s0], $0x80, v3, vm0, $0xb8;
	[tilespmem:$0x18200] =	vst v63  }
0x125: {  	s22 =	simm.s32 $0x3200  }
0x126: {  	[tilespmem:s22], [sflag:$0x1] =	stream.indirect_vreg.gather [hbm4b:s9+s0], $0x80, v3, vm0, $0xb8;
	[tilespmem:$0x18200] =	vst v63  }
0x127: {  	s23 =	simm.s32 $0x3A00  }
0x128: {  	[tilespmem:s23], [sflag:$0x1] =	stream.indirect_vreg.gather [hbm4b:s11+s0], $0x80, v3, vm0, $0xb8;
	[tilespmem:$0x18200] =	vst v63  }
0x129: {  	v3 =	vld [tilespmem:$0xB0];
	_ =	sdelay $0x4  }
0x12a: {  	v63 =	vshll.u32 v3, $0x3  }
0x12b: {  	v3 =	vand.u32 $0x7, v3;
	v4 =	vand.u32 $0xFFFFFFC0, v63  }
0x12c: {  	v3 =	vor.u32 v3, v4  }
0x12d: {  	v4 =	vperm.xlane v3, v0;
	_ =	sdelay $0x1  }
0x12e: {  	v4 =	vadd.s32 v1, v4;
	_ =	sdelay $0x3  }
0x12f: {  	s6 =	simm.s32 $0x4200  }
0x130: {  	[tilespmem:s6], [sflag:$0x1] =	stream.indirect_vreg.gather [hbm4b:s2+s0], $0x80, v4, vm0, $0xb8;
	[tilespmem:$0x18200] =	vst v63  }
0x131: {  	s7 =	simm.s32 $0x4A00;
	v3 =	vperm.xlane v3, v2  }
0x132: {  	[tilespmem:s7], [sflag:$0x1] =	stream.indirect_vreg.gather [hbm4b:s8+s0], $0x80, v4, vm0, $0xb8;
	[tilespmem:$0x18200] =	vst v63  }
0x133: {  	s22 =	simm.s32 $0x5200;
	v3 =	vadd.s32 v1, v3  }
0x134: {  	[tilespmem:s22], [sflag:$0x1] =	stream.indirect_vreg.gather [hbm4b:s9+s0], $0x80, v4, vm0, $0xb8;
	[tilespmem:$0x18200] =	vst v63  }
0x135: {  	s23 =	simm.s32 $0x5A00  }
0x136: {  	[tilespmem:s23], [sflag:$0x1] =	stream.indirect_vreg.gather [hbm4b:s11+s0], $0x80, v4, vm0, $0xb8;
	[tilespmem:$0x18200] =	vst v63  }
0x137: {  	s6 =	simm.s32 $0x6200  }
0x138: {  	[tilespmem:s6], [sflag:$0x1] =	stream.indirect_vreg.gather [hbm4b:s2+s0], $0x80, v3, vm0, $0xb8;
	[tilespmem:$0x18200] =	vst v63  }
0x139: {  	s7 =	simm.s32 $0x6A00  }
0x13a: {  	[tilespmem:s7], [sflag:$0x1] =	stream.indirect_vreg.gather [hbm4b:s8+s0], $0x80, v3, vm0, $0xb8;
	[tilespmem:$0x18200] =	vst v63  }
0x13b: {  	s22 =	simm.s32 $0x7200  }
0x13c: {  	[tilespmem:s22], [sflag:$0x1] =	stream.indirect_vreg.gather [hbm4b:s9+s0], $0x80, v3, vm0, $0xb8;
	[tilespmem:$0x18200] =	vst v63  }
0x13d: {  	s23 =	simm.s32 $0x7A00  }
0x13e: {  	[tilespmem:s23], [sflag:$0x1] =	stream.indirect_vreg.gather [hbm4b:s11+s0], $0x80, v3, vm0, $0xb8;
	[tilespmem:$0x18200] =	vst v63  }
0x13f: {  	_ =	swait.ge [sflag:s29], $0x8000  }
0x140: {  	[sflag:s29] =	ssyncset.done $0x0  }
0x141: {  	s5 =	simm.s32 $0x10200;
	[sflag:s29] =	ssyncadd.s32 $0xFFFF8000  }
0x142: {  	[hbm4b:s13+s21] =	stream.strided.scatter [tilespmem:s5], [sflag:$0x6], $0x400, s25, s21, $0x38;
	[tilespmem:$0x18200] =	vst v63  }
0x143: {  	s6 =	simm.s32 $0x10600;
	s7 =	sadd.s32 $0x40, s13  }
0x144: {  	[hbm4b:s7+s21] =	stream.strided.scatter [tilespmem:s6], [sflag:$0x6], $0x400, s25, s21, $0x38;
	[tilespmem:$0x18200] =	vst v63  }
0x145: {  	s22 =	simm.s32 $0x10A00;
	s23 =	sadd.s32 $0x80, s13  }
0x146: {  	[hbm4b:s23+s21] =	stream.strided.scatter [tilespmem:s22], [sflag:$0x6], $0x400, s25, s21, $0x38;
	[tilespmem:$0x18200] =	vst v63  }
0x147: {  	s6 =	simm.s32 $0x10E00;
	s7 =	sadd.s32 $0xC0, s13  }
0x148: {  	[hbm4b:s7+s21] =	stream.strided.scatter [tilespmem:s6], [sflag:$0x6], $0x400, s25, s21, $0x38;
	[tilespmem:$0x18200] =	vst v63  }
0x149: {  	s22 =	simm.s32 $0x11200;
	s23 =	sadd.s32 $0x100, s13  }
0x14a: {  	[hbm4b:s23+s21] =	stream.strided.scatter [tilespmem:s22], [sflag:$0x6], $0x400, s25, s21, $0x38;
	[tilespmem:$0x18200] =	vst v63  }
0x14b: {  	s0 =	simm.s32 $0x2000;
	s6 =	simm.s32 $0x11600;
	s7 =	sadd.s32 $0x140, s13  }
0x14c: {  	[hbm4b:s7+s21] =	stream.strided.scatter [tilespmem:s6], [sflag:$0x6], $0x400, s25, s21, $0x38;
	[tilespmem:$0x18200] =	vst v63  }
0x14d: {  	s5 =	simm.s32 $0x11E00;
	s22 =	simm.s32 $0x11A00;
	s23 =	sadd.s32 $0x180, s13  }
0x14e: {  	[hbm4b:s23+s21] =	stream.strided.scatter [tilespmem:s22], [sflag:$0x6], $0x400, s25, s21, $0x38;
	[tilespmem:$0x18200] =	vst v63  }
0x14f: {  	s6 =	sadd.s32 $0x1C0, s13;
	s23 =	simm.s32 $0x10000;
	s22 =	sadd.s32 $0x1000, s13  }
.LBB2_6:
0x150: {  	[hbm4b:s6+s21] =	stream.strided.scatter [tilespmem:s5], [sflag:$0x6], $0x400, s25, s21, $0x38;
	[tilespmem:$0x18200] =	vst v63  }
0x151: {  	s5 =	smov.u32 s0;
	s0 =	smov.u32 s23  }
0x152: {  	s7 =	sadd.s32 $0x8000, s23;
	s0 =	sshra.s32 s0, $0x2;
	s6 =	sadd.s32 $0x10200, s5  }
0x153: {  	[hbm4b:s22+s21] =	stream.strided.scatter [tilespmem:s6], [sflag:$0x6], $0x400, s25, s21, $0x38;
	[tilespmem:$0x18200] =	vst v63  }
0x154: {  	p0 =	sne.s32 s23, $0x18000;
	s23 =	sadd.s32 $0x40, s22;
	s6 =	sadd.s32 $0x10600, s5  }
0x155: {  	[hbm4b:s23+s21] =	stream.strided.scatter [tilespmem:s6], [sflag:$0x6], $0x400, s25, s21, $0x38;
	[tilespmem:$0x18200] =	vst v63  }
0x156: {  	s6 =	sadd.s32 $0x10A00, s5;
	s23 =	sadd.s32 $0x80, s22  }
0x157: {  	[hbm4b:s23+s21] =	stream.strided.scatter [tilespmem:s6], [sflag:$0x6], $0x400, s25, s21, $0x38;
	[tilespmem:$0x18200] =	vst v63  }
0x158: {  	s6 =	sadd.s32 $0x10E00, s5;
	s23 =	sadd.s32 $0xC0, s22  }
0x159: {  	[hbm4b:s23+s21] =	stream.strided.scatter [tilespmem:s6], [sflag:$0x6], $0x400, s25, s21, $0x38;
	[tilespmem:$0x18200] =	vst v63  }
0x15a: {  	s6 =	sadd.s32 $0x11200, s5;
	s23 =	sadd.s32 $0x100, s22  }
0x15b: {  	[hbm4b:s23+s21] =	stream.strided.scatter [tilespmem:s6], [sflag:$0x6], $0x400, s25, s21, $0x38;
	[tilespmem:$0x18200] =	vst v63  }
.Ltmp2:
0x15c: {  	s6 =	sadd.s32 $0x11600, s5;
	s23 =	sadd.s32 $0x140, s22;
	(pc) =	sbr.rel @p0 .LBB2_6-.Ltmp2, $4  }
0x15d: {  	[hbm4b:s23+s21] =	stream.strided.scatter [tilespmem:s6], [sflag:$0x6], $0x400, s25, s21, $0x38;
	[tilespmem:$0x18200] =	vst v63  }
0x15e: {  	s6 =	sadd.s32 $0x11A00, s5;
	s23 =	sadd.s32 $0x180, s22;
	s5 =	sadd.s32 $0x11E00, s5  }
0x15f: {  	[hbm4b:s23+s21] =	stream.strided.scatter [tilespmem:s6], [sflag:$0x6], $0x400, s25, s21, $0x38;
	[tilespmem:$0x18200] =	vst v63  }
0x160: {  	s6 =	sadd.s32 $0x1C0, s22;
	s22 =	sadd.s32 $0x1000, s22;
	s23 =	smov.u32 s7  }
0x161: {  	[hbm4b:s6+s21] =	stream.strided.scatter [tilespmem:s5], [sflag:$0x6], $0x400, s25, s21, $0x38;
	[tilespmem:$0x18200] =	vst v63  }
0x162: {  	s6 =	sadd.s32 $0x10200, s0  }
0x163: {  	[hbm4b:s22+s21] =	stream.strided.scatter [tilespmem:s6], [sflag:$0x6], $0x400, s25, s21, $0x38;
	[tilespmem:$0x18200] =	vst v63  }
0x164: {  	s7 =	sadd.s32 $0x10600, s0;
	s23 =	sadd.s32 $0x40, s22  }
0x165: {  	[hbm4b:s23+s21] =	stream.strided.scatter [tilespmem:s7], [sflag:$0x6], $0x400, s25, s21, $0x38;
	[tilespmem:$0x18200] =	vst v63  }
0x166: {  	s7 =	sadd.s32 $0x10A00, s0;
	s23 =	sadd.s32 $0x80, s22  }
0x167: {  	[hbm4b:s23+s21] =	stream.strided.scatter [tilespmem:s7], [sflag:$0x6], $0x400, s25, s21, $0x38;
	[tilespmem:$0x18200] =	vst v63  }
0x168: {  	s7 =	sadd.s32 $0x10E00, s0;
	s23 =	sadd.s32 $0xC0, s22  }
0x169: {  	[hbm4b:s23+s21] =	stream.strided.scatter [tilespmem:s7], [sflag:$0x6], $0x400, s25, s21, $0x38;
	[tilespmem:$0x18200] =	vst v63  }
0x16a: {  	s7 =	sadd.s32 $0x11200, s0;
	s23 =	sadd.s32 $0x100, s22  }
0x16b: {  	[hbm4b:s23+s21] =	stream.strided.scatter [tilespmem:s7], [sflag:$0x6], $0x400, s25, s21, $0x38;
	[tilespmem:$0x18200] =	vst v63  }
0x16c: {  	s7 =	sadd.s32 $0x11600, s0;
	s23 =	sadd.s32 $0x140, s22  }
0x16d: {  	[hbm4b:s23+s21] =	stream.strided.scatter [tilespmem:s7], [sflag:$0x6], $0x400, s25, s21, $0x38;
	[tilespmem:$0x18200] =	vst v63  }
0x16e: {  	s7 =	sadd.s32 $0x11A00, s0;
	s23 =	sadd.s32 $0x180, s22  }
0x16f: {  	[hbm4b:s23+s21] =	stream.strided.scatter [tilespmem:s7], [sflag:$0x6], $0x400, s25, s21, $0x38;
	[tilespmem:$0x18200] =	vst v63  }
0x170: {  	s6 =	sadd.s32 $0x11E00, s0;
	s7 =	sadd.s32 $0x1C0, s22  }
0x171: {  	[hbm4b:s7+s21] =	stream.strided.scatter [tilespmem:s6], [sflag:$0x6], $0x400, s25, s21, $0x38;
	[tilespmem:$0x18200] =	vst v63  }
0x172: {  	_ =	swait.ge [sflag:s30], $0x8000  }
0x173: {  	[sflag:s30] =	ssyncset.done $0x0  }
0x174: {  	[sflag:s30] =	ssyncadd.s32 $0xFFFF8000  }
0x175: {  	v3 =	vld [tilespmem:$0x100];
	_ =	sdelay $0x4  }
0x176: {  	v4 =	vshll.u32 v3, $0x3  }
0x177: {  	v3 =	vand.u32 $0x7, v3;
	v4 =	vand.u32 $0xFFFFFFC0, v4  }
0x178: {  	v3 =	vor.u32 v3, v4  }
0x179: {  	v4 =	vperm.xlane v3, v0;
	_ =	sdelay $0x1  }
0x17a: {  	v4 =	vadd.s32 v1, v4;
	_ =	sdelay $0x3  }
0x17b: {  	s0 =	simm.s32 $0x0;
	s22 =	simm.s32 $0x8200  }
0x17c: {  	[tilespmem:s22], [sflag:$0x2] =	stream.indirect_vreg.gather [hbm4b:s2+s0], $0x80, v4, vm0, $0xb8;
	[tilespmem:$0x18200] =	vst v63  }
0x17d: {  	s23 =	simm.s32 $0x8A00;
	v3 =	vperm.xlane v3, v2  }
0x17e: {  	[tilespmem:s23], [sflag:$0x2] =	stream.indirect_vreg.gather [hbm4b:s8+s0], $0x80, v4, vm0, $0xb8;
	[tilespmem:$0x18200] =	vst v63  }
0x17f: {  	s6 =	simm.s32 $0x9200;
	v3 =	vadd.s32 v1, v3  }
0x180: {  	[tilespmem:s6], [sflag:$0x2] =	stream.indirect_vreg.gather [hbm4b:s9+s0], $0x80, v4, vm0, $0xb8;
	[tilespmem:$0x18200] =	vst v63  }
0x181: {  	s7 =	simm.s32 $0x9A00  }
0x182: {  	[tilespmem:s7], [sflag:$0x2] =	stream.indirect_vreg.gather [hbm4b:s11+s0], $0x80, v4, vm0, $0xb8;
	[tilespmem:$0x18200] =	vst v63  }
0x183: {  	s22 =	simm.s32 $0xA200  }
0x184: {  	[tilespmem:s22], [sflag:$0x2] =	stream.indirect_vreg.gather [hbm4b:s2+s0], $0x80, v3, vm0, $0xb8;
	[tilespmem:$0x18200] =	vst v63  }
0x185: {  	s23 =	simm.s32 $0xAA00  }
0x186: {  	[tilespmem:s23], [sflag:$0x2] =	stream.indirect_vreg.gather [hbm4b:s8+s0], $0x80, v3, vm0, $0xb8;
	[tilespmem:$0x18200] =	vst v63  }
0x187: {  	s6 =	simm.s32 $0xB200  }
0x188: {  	[tilespmem:s6], [sflag:$0x2] =	stream.indirect_vreg.gather [hbm4b:s9+s0], $0x80, v3, vm0, $0xb8;
	[tilespmem:$0x18200] =	vst v63  }
0x189: {  	s7 =	simm.s32 $0xBA00  }
0x18a: {  	[tilespmem:s7], [sflag:$0x2] =	stream.indirect_vreg.gather [hbm4b:s11+s0], $0x80, v3, vm0, $0xb8;
	[tilespmem:$0x18200] =	vst v63  }
0x18b: {  	v3 =	vld [tilespmem:$0x110];
	_ =	sdelay $0x4  }
0x18c: {  	v63 =	vshll.u32 v3, $0x3  }
0x18d: {  	v3 =	vand.u32 $0x7, v3;
	v4 =	vand.u32 $0xFFFFFFC0, v63  }
0x18e: {  	v3 =	vor.u32 v3, v4  }
0x18f: {  	v4 =	vperm.xlane v3, v0;
	_ =	sdelay $0x1  }
0x190: {  	v4 =	vadd.s32 v1, v4;
	_ =	sdelay $0x3  }
0x191: {  	s22 =	simm.s32 $0xC200  }
0x192: {  	[tilespmem:s22], [sflag:$0x2] =	stream.indirect_vreg.gather [hbm4b:s2+s0], $0x80, v4, vm0, $0xb8;
	[tilespmem:$0x18200] =	vst v63  }
0x193: {  	s23 =	simm.s32 $0xCA00;
	v3 =	vperm.xlane v3, v2  }
0x194: {  	[tilespmem:s23], [sflag:$0x2] =	stream.indirect_vreg.gather [hbm4b:s8+s0], $0x80, v4, vm0, $0xb8;
	[tilespmem:$0x18200] =	vst v63  }
0x195: {  	s6 =	simm.s32 $0xD200;
	v3 =	vadd.s32 v1, v3  }
0x196: {  	[tilespmem:s6], [sflag:$0x2] =	stream.indirect_vreg.gather [hbm4b:s9+s0], $0x80, v4, vm0, $0xb8;
	[tilespmem:$0x18200] =	vst v63  }
0x197: {  	s7 =	simm.s32 $0xDA00  }
0x198: {  	[tilespmem:s7], [sflag:$0x2] =	stream.indirect_vreg.gather [hbm4b:s11+s0], $0x80, v4, vm0, $0xb8;
	[tilespmem:$0x18200] =	vst v63  }
0x199: {  	s22 =	simm.s32 $0xE200  }
0x19a: {  	[tilespmem:s22], [sflag:$0x2] =	stream.indirect_vreg.gather [hbm4b:s2+s0], $0x80, v3, vm0, $0xb8;
	[tilespmem:$0x18200] =	vst v63  }
0x19b: {  	s23 =	simm.s32 $0xEA00  }
0x19c: {  	[tilespmem:s23], [sflag:$0x2] =	stream.indirect_vreg.gather [hbm4b:s8+s0], $0x80, v3, vm0, $0xb8;
	[tilespmem:$0x18200] =	vst v63  }
0x19d: {  	_ = 	snop  }
0x19e: {  	[tilespmem:s19], [sflag:$0x2] =	stream.indirect_vreg.gather [hbm4b:s9+s0], $0x80, v3, vm0, $0xb8;
	[tilespmem:$0x18200] =	vst v63  }
0x19f: {  	_ = 	snop  }
0x1a0: {  	[tilespmem:s4], [sflag:$0x2] =	stream.indirect_vreg.gather [hbm4b:s11+s0], $0x80, v3, vm0, $0xb8;
	[tilespmem:$0x18200] =	vst v63  }
0x1a1: {  	_ =	swait.ge [sflag:s24], $0x8000  }
0x1a2: {  	[sflag:s24] =	ssyncset.done $0x0  }
0x1a3: {  	s5 =	simm.s32 $0x200;
	[sflag:s24] =	ssyncadd.s32 $0xFFFF8000  }
0x1a4: {  	[hbm4b:s14+s21] =	stream.strided.scatter [tilespmem:s5], [sflag:$0x4], $0x400, s25, s21, $0x38;
	[tilespmem:$0x18200] =	vst v63  }
0x1a5: {  	s6 =	simm.s32 $0x600;
	s7 =	sadd.s32 $0x40, s14  }
0x1a6: {  	[hbm4b:s7+s21] =	stream.strided.scatter [tilespmem:s6], [sflag:$0x4], $0x400, s25, s21, $0x38;
	[tilespmem:$0x18200] =	vst v63  }
0x1a7: {  	s22 =	simm.s32 $0xA00;
	s23 =	sadd.s32 $0x80, s14  }
0x1a8: {  	[hbm4b:s23+s21] =	stream.strided.scatter [tilespmem:s22], [sflag:$0x4], $0x400, s25, s21, $0x38;
	[tilespmem:$0x18200] =	vst v63  }
0x1a9: {  	s6 =	simm.s32 $0xE00;
	s7 =	sadd.s32 $0xC0, s14  }
0x1aa: {  	[hbm4b:s7+s21] =	stream.strided.scatter [tilespmem:s6], [sflag:$0x4], $0x400, s25, s21, $0x38;
	[tilespmem:$0x18200] =	vst v63  }
0x1ab: {  	s22 =	simm.s32 $0x1200;
	s23 =	sadd.s32 $0x100, s14  }
0x1ac: {  	[hbm4b:s23+s21] =	stream.strided.scatter [tilespmem:s22], [sflag:$0x4], $0x400, s25, s21, $0x38;
	[tilespmem:$0x18200] =	vst v63  }
0x1ad: {  	s0 =	simm.s32 $0x2000;
	s6 =	simm.s32 $0x1600;
	s7 =	sadd.s32 $0x140, s14  }
0x1ae: {  	[hbm4b:s7+s21] =	stream.strided.scatter [tilespmem:s6], [sflag:$0x4], $0x400, s25, s21, $0x38;
	[tilespmem:$0x18200] =	vst v63  }
0x1af: {  	s5 =	simm.s32 $0x1E00;
	s22 =	simm.s32 $0x1A00;
	s23 =	sadd.s32 $0x180, s14  }
0x1b0: {  	[hbm4b:s23+s21] =	stream.strided.scatter [tilespmem:s22], [sflag:$0x4], $0x400, s25, s21, $0x38;
	[tilespmem:$0x18200] =	vst v63  }
0x1b1: {  	s6 =	sadd.s32 $0x1C0, s14;
	s23 =	simm.s32 $0x10000;
	s22 =	sadd.s32 $0x1000, s14  }
.LBB2_8:
0x1b2: {  	[hbm4b:s6+s21] =	stream.strided.scatter [tilespmem:s5], [sflag:$0x4], $0x400, s25, s21, $0x38;
	[tilespmem:$0x18200] =	vst v63  }
0x1b3: {  	s5 =	smov.u32 s0;
	s0 =	smov.u32 s23  }
0x1b4: {  	s7 =	sadd.s32 $0x8000, s23;
	s0 =	sshra.s32 s0, $0x2;
	s6 =	sadd.s32 $0x200, s5  }
0x1b5: {  	[hbm4b:s22+s21] =	stream.strided.scatter [tilespmem:s6], [sflag:$0x4], $0x400, s25, s21, $0x38;
	[tilespmem:$0x18200] =	vst v63  }
0x1b6: {  	p0 =	sne.s32 s23, $0x18000;
	s23 =	sadd.s32 $0x40, s22;
	s6 =	sadd.s32 $0x600, s5  }
0x1b7: {  	[hbm4b:s23+s21] =	stream.strided.scatter [tilespmem:s6], [sflag:$0x4], $0x400, s25, s21, $0x38;
	[tilespmem:$0x18200] =	vst v63  }
0x1b8: {  	s6 =	sadd.s32 $0xA00, s5;
	s23 =	sadd.s32 $0x80, s22  }
0x1b9: {  	[hbm4b:s23+s21] =	stream.strided.scatter [tilespmem:s6], [sflag:$0x4], $0x400, s25, s21, $0x38;
	[tilespmem:$0x18200] =	vst v63  }
0x1ba: {  	s6 =	sadd.s32 $0xE00, s5;
	s23 =	sadd.s32 $0xC0, s22  }
0x1bb: {  	[hbm4b:s23+s21] =	stream.strided.scatter [tilespmem:s6], [sflag:$0x4], $0x400, s25, s21, $0x38;
	[tilespmem:$0x18200] =	vst v63  }
0x1bc: {  	s6 =	sadd.s32 $0x1200, s5;
	s23 =	sadd.s32 $0x100, s22  }
0x1bd: {  	[hbm4b:s23+s21] =	stream.strided.scatter [tilespmem:s6], [sflag:$0x4], $0x400, s25, s21, $0x38;
	[tilespmem:$0x18200] =	vst v63  }
.Ltmp3:
0x1be: {  	s6 =	sadd.s32 $0x1600, s5;
	s23 =	sadd.s32 $0x140, s22;
	(pc) =	sbr.rel @p0 .LBB2_8-.Ltmp3, $4  }
0x1bf: {  	[hbm4b:s23+s21] =	stream.strided.scatter [tilespmem:s6], [sflag:$0x4], $0x400, s25, s21, $0x38;
	[tilespmem:$0x18200] =	vst v63  }
0x1c0: {  	s6 =	sadd.s32 $0x1A00, s5;
	s23 =	sadd.s32 $0x180, s22;
	s5 =	sadd.s32 $0x1E00, s5  }
0x1c1: {  	[hbm4b:s23+s21] =	stream.strided.scatter [tilespmem:s6], [sflag:$0x4], $0x400, s25, s21, $0x38;
	[tilespmem:$0x18200] =	vst v63  }
0x1c2: {  	s6 =	sadd.s32 $0x1C0, s22;
	s22 =	sadd.s32 $0x1000, s22;
	s23 =	smov.u32 s7  }
0x1c3: {  	[hbm4b:s6+s21] =	stream.strided.scatter [tilespmem:s5], [sflag:$0x4], $0x400, s25, s21, $0x38;
	[tilespmem:$0x18200] =	vst v63  }
0x1c4: {  	s6 =	sadd.s32 $0x200, s0  }
0x1c5: {  	[hbm4b:s22+s21] =	stream.strided.scatter [tilespmem:s6], [sflag:$0x4], $0x400, s25, s21, $0x38;
	[tilespmem:$0x18200] =	vst v63  }
0x1c6: {  	s7 =	sadd.s32 $0x600, s0;
	s23 =	sadd.s32 $0x40, s22  }
0x1c7: {  	[hbm4b:s23+s21] =	stream.strided.scatter [tilespmem:s7], [sflag:$0x4], $0x400, s25, s21, $0x38;
	[tilespmem:$0x18200] =	vst v63  }
0x1c8: {  	s7 =	sadd.s32 $0xA00, s0;
	s23 =	sadd.s32 $0x80, s22  }
0x1c9: {  	[hbm4b:s23+s21] =	stream.strided.scatter [tilespmem:s7], [sflag:$0x4], $0x400, s25, s21, $0x38;
	[tilespmem:$0x18200] =	vst v63  }
0x1ca: {  	s7 =	sadd.s32 $0xE00, s0;
	s23 =	sadd.s32 $0xC0, s22  }
0x1cb: {  	[hbm4b:s23+s21] =	stream.strided.scatter [tilespmem:s7], [sflag:$0x4], $0x400, s25, s21, $0x38;
	[tilespmem:$0x18200] =	vst v63  }
0x1cc: {  	s7 =	sadd.s32 $0x1200, s0;
	s23 =	sadd.s32 $0x100, s22  }
0x1cd: {  	[hbm4b:s23+s21] =	stream.strided.scatter [tilespmem:s7], [sflag:$0x4], $0x400, s25, s21, $0x38;
	[tilespmem:$0x18200] =	vst v63  }
0x1ce: {  	s7 =	sadd.s32 $0x1600, s0;
	s23 =	sadd.s32 $0x140, s22  }
0x1cf: {  	[hbm4b:s23+s21] =	stream.strided.scatter [tilespmem:s7], [sflag:$0x4], $0x400, s25, s21, $0x38;
	[tilespmem:$0x18200] =	vst v63  }
0x1d0: {  	s7 =	sadd.s32 $0x1A00, s0;
	s23 =	sadd.s32 $0x180, s22  }
0x1d1: {  	[hbm4b:s23+s21] =	stream.strided.scatter [tilespmem:s7], [sflag:$0x4], $0x400, s25, s21, $0x38;
	[tilespmem:$0x18200] =	vst v63  }
0x1d2: {  	s7 =	sadd.s32 $0x1E00, s0;
	s23 =	sadd.s32 $0x1C0, s22  }
0x1d3: {  	[hbm4b:s23+s21] =	stream.strided.scatter [tilespmem:s7], [sflag:$0x4], $0x400, s25, s21, $0x38;
	[tilespmem:$0x18200] =	vst v63  }
0x1d4: {  	_ =	swait.ge [sflag:s31], $0x8000  }
0x1d5: {  	[sflag:s31] =	ssyncset.done $0x0  }
0x1d6: {  	[sflag:s31] =	ssyncadd.s32 $0xFFFF8000  }
0x1d7: {  	v3 =	vld [tilespmem:$0x120];
	_ =	sdelay $0x4  }
0x1d8: {  	v4 =	vshll.u32 v3, $0x3  }
0x1d9: {  	v3 =	vand.u32 $0x7, v3;
	v4 =	vand.u32 $0xFFFFFFC0, v4  }
0x1da: {  	v3 =	vor.u32 v3, v4  }
0x1db: {  	v4 =	vperm.xlane v3, v0;
	_ =	sdelay $0x1  }
0x1dc: {  	v4 =	vadd.s32 v1, v4;
	_ =	sdelay $0x3  }
0x1dd: {  	s6 =	simm.s32 $0x10200;
	s0 =	simm.s32 $0x0  }
0x1de: {  	[tilespmem:s6], [sflag:$0x3] =	stream.indirect_vreg.gather [hbm4b:s2+s0], $0x80, v4, vm0, $0xb8;
	[tilespmem:$0x18200] =	vst v63  }
0x1df: {  	s7 =	simm.s32 $0x10A00;
	v3 =	vperm.xlane v3, v2  }
0x1e0: {  	[tilespmem:s7], [sflag:$0x3] =	stream.indirect_vreg.gather [hbm4b:s8+s0], $0x80, v4, vm0, $0xb8;
	[tilespmem:$0x18200] =	vst v63  }
0x1e1: {  	s22 =	simm.s32 $0x11200;
	v3 =	vadd.s32 v1, v3  }
0x1e2: {  	[tilespmem:s22], [sflag:$0x3] =	stream.indirect_vreg.gather [hbm4b:s9+s0], $0x80, v4, vm0, $0xb8;
	[tilespmem:$0x18200] =	vst v63  }
0x1e3: {  	s23 =	simm.s32 $0x11A00  }
0x1e4: {  	[tilespmem:s23], [sflag:$0x3] =	stream.indirect_vreg.gather [hbm4b:s11+s0], $0x80, v4, vm0, $0xb8;
	[tilespmem:$0x18200] =	vst v63  }
0x1e5: {  	s6 =	simm.s32 $0x12200  }
0x1e6: {  	[tilespmem:s6], [sflag:$0x3] =	stream.indirect_vreg.gather [hbm4b:s2+s0], $0x80, v3, vm0, $0xb8;
	[tilespmem:$0x18200] =	vst v63  }
0x1e7: {  	s7 =	simm.s32 $0x12A00  }
0x1e8: {  	[tilespmem:s7], [sflag:$0x3] =	stream.indirect_vreg.gather [hbm4b:s8+s0], $0x80, v3, vm0, $0xb8;
	[tilespmem:$0x18200] =	vst v63  }
0x1e9: {  	s22 =	simm.s32 $0x13200  }
0x1ea: {  	[tilespmem:s22], [sflag:$0x3] =	stream.indirect_vreg.gather [hbm4b:s9+s0], $0x80, v3, vm0, $0xb8;
	[tilespmem:$0x18200] =	vst v63  }
0x1eb: {  	s23 =	simm.s32 $0x13A00  }
0x1ec: {  	[tilespmem:s23], [sflag:$0x3] =	stream.indirect_vreg.gather [hbm4b:s11+s0], $0x80, v3, vm0, $0xb8;
	[tilespmem:$0x18200] =	vst v63  }
0x1ed: {  	v3 =	vld [tilespmem:$0x130];
	_ =	sdelay $0x4  }
0x1ee: {  	v63 =	vshll.u32 v3, $0x3  }
0x1ef: {  	v3 =	vand.u32 $0x7, v3;
	v4 =	vand.u32 $0xFFFFFFC0, v63  }
0x1f0: {  	v3 =	vor.u32 v3, v4  }
0x1f1: {  	v4 =	vperm.xlane v3, v0;
	_ =	sdelay $0x1  }
0x1f2: {  	v4 =	vadd.s32 v1, v4;
	_ =	sdelay $0x3  }
0x1f3: {  	s6 =	simm.s32 $0x14200  }
0x1f4: {  	[tilespmem:s6], [sflag:$0x3] =	stream.indirect_vreg.gather [hbm4b:s2+s0], $0x80, v4, vm0, $0xb8;
	[tilespmem:$0x18200] =	vst v63  }
0x1f5: {  	s7 =	simm.s32 $0x14A00;
	v3 =	vperm.xlane v3, v2  }
0x1f6: {  	[tilespmem:s7], [sflag:$0x3] =	stream.indirect_vreg.gather [hbm4b:s8+s0], $0x80, v4, vm0, $0xb8;
	[tilespmem:$0x18200] =	vst v63  }
0x1f7: {  	s22 =	simm.s32 $0x15200;
	v3 =	vadd.s32 v1, v3  }
0x1f8: {  	[tilespmem:s22], [sflag:$0x3] =	stream.indirect_vreg.gather [hbm4b:s9+s0], $0x80, v4, vm0, $0xb8;
	[tilespmem:$0x18200] =	vst v63  }
0x1f9: {  	s23 =	simm.s32 $0x15A00  }
0x1fa: {  	[tilespmem:s23], [sflag:$0x3] =	stream.indirect_vreg.gather [hbm4b:s11+s0], $0x80, v4, vm0, $0xb8;
	[tilespmem:$0x18200] =	vst v63  }
0x1fb: {  	s6 =	simm.s32 $0x16200  }
0x1fc: {  	[tilespmem:s6], [sflag:$0x3] =	stream.indirect_vreg.gather [hbm4b:s2+s0], $0x80, v3, vm0, $0xb8;
	[tilespmem:$0x18200] =	vst v63  }
0x1fd: {  	s7 =	simm.s32 $0x16A00  }
0x1fe: {  	[tilespmem:s7], [sflag:$0x3] =	stream.indirect_vreg.gather [hbm4b:s8+s0], $0x80, v3, vm0, $0xb8;
	[tilespmem:$0x18200] =	vst v63  }
0x1ff: {  	s22 =	simm.s32 $0x17200  }
0x200: {  	[tilespmem:s22], [sflag:$0x3] =	stream.indirect_vreg.gather [hbm4b:s9+s0], $0x80, v3, vm0, $0xb8;
	[tilespmem:$0x18200] =	vst v63  }
0x201: {  	s23 =	simm.s32 $0x17A00  }
0x202: {  	[tilespmem:s23], [sflag:$0x3] =	stream.indirect_vreg.gather [hbm4b:s11+s0], $0x80, v3, vm0, $0xb8;
	[tilespmem:$0x18200] =	vst v63  }
0x203: {  	_ =	swait.ge [sflag:s26], $0x8000  }
0x204: {  	[sflag:s26] =	ssyncset.done $0x0  }
0x205: {  	s5 =	simm.s32 $0x8200;
	[sflag:s26] =	ssyncadd.s32 $0xFFFF8000  }
0x206: {  	[hbm4b:s15+s21] =	stream.strided.scatter [tilespmem:s5], [sflag:$0x5], $0x400, s25, s21, $0x38;
	[tilespmem:$0x18200] =	vst v63  }
0x207: {  	s6 =	simm.s32 $0x8600;
	s7 =	sadd.s32 $0x40, s15  }
0x208: {  	[hbm4b:s7+s21] =	stream.strided.scatter [tilespmem:s6], [sflag:$0x5], $0x400, s25, s21, $0x38;
	[tilespmem:$0x18200] =	vst v63  }
0x209: {  	s22 =	simm.s32 $0x8A00;
	s23 =	sadd.s32 $0x80, s15  }
0x20a: {  	[hbm4b:s23+s21] =	stream.strided.scatter [tilespmem:s22], [sflag:$0x5], $0x400, s25, s21, $0x38;
	[tilespmem:$0x18200] =	vst v63  }
0x20b: {  	s6 =	simm.s32 $0x8E00;
	s7 =	sadd.s32 $0xC0, s15  }
0x20c: {  	[hbm4b:s7+s21] =	stream.strided.scatter [tilespmem:s6], [sflag:$0x5], $0x400, s25, s21, $0x38;
	[tilespmem:$0x18200] =	vst v63  }
0x20d: {  	s22 =	simm.s32 $0x9200;
	s23 =	sadd.s32 $0x100, s15  }
0x20e: {  	[hbm4b:s23+s21] =	stream.strided.scatter [tilespmem:s22], [sflag:$0x5], $0x400, s25, s21, $0x38;
	[tilespmem:$0x18200] =	vst v63  }
0x20f: {  	s0 =	simm.s32 $0x2000;
	s6 =	simm.s32 $0x9600;
	s7 =	sadd.s32 $0x140, s15  }
0x210: {  	[hbm4b:s7+s21] =	stream.strided.scatter [tilespmem:s6], [sflag:$0x5], $0x400, s25, s21, $0x38;
	[tilespmem:$0x18200] =	vst v63  }
0x211: {  	s5 =	simm.s32 $0x9E00;
	s22 =	simm.s32 $0x9A00;
	s23 =	sadd.s32 $0x180, s15  }
0x212: {  	[hbm4b:s23+s21] =	stream.strided.scatter [tilespmem:s22], [sflag:$0x5], $0x400, s25, s21, $0x38;
	[tilespmem:$0x18200] =	vst v63  }
0x213: {  	s6 =	sadd.s32 $0x1C0, s15;
	s23 =	simm.s32 $0x10000;
	s22 =	sadd.s32 $0x1000, s15  }
.LBB2_10:
0x214: {  	[hbm4b:s6+s21] =	stream.strided.scatter [tilespmem:s5], [sflag:$0x5], $0x400, s25, s21, $0x38;
	[tilespmem:$0x18200] =	vst v63  }
0x215: {  	s5 =	smov.u32 s0;
	s0 =	smov.u32 s23  }
0x216: {  	s7 =	sadd.s32 $0x8000, s23;
	s0 =	sshra.s32 s0, $0x2;
	s6 =	sadd.s32 $0x8200, s5  }
0x217: {  	[hbm4b:s22+s21] =	stream.strided.scatter [tilespmem:s6], [sflag:$0x5], $0x400, s25, s21, $0x38;
	[tilespmem:$0x18200] =	vst v63  }
0x218: {  	p0 =	sne.s32 s23, $0x18000;
	s23 =	sadd.s32 $0x40, s22;
	s6 =	sadd.s32 $0x8600, s5  }
0x219: {  	[hbm4b:s23+s21] =	stream.strided.scatter [tilespmem:s6], [sflag:$0x5], $0x400, s25, s21, $0x38;
	[tilespmem:$0x18200] =	vst v63  }
0x21a: {  	s6 =	sadd.s32 $0x8A00, s5;
	s23 =	sadd.s32 $0x80, s22  }
0x21b: {  	[hbm4b:s23+s21] =	stream.strided.scatter [tilespmem:s6], [sflag:$0x5], $0x400, s25, s21, $0x38;
	[tilespmem:$0x18200] =	vst v63  }
0x21c: {  	s6 =	sadd.s32 $0x8E00, s5;
	s23 =	sadd.s32 $0xC0, s22  }
0x21d: {  	[hbm4b:s23+s21] =	stream.strided.scatter [tilespmem:s6], [sflag:$0x5], $0x400, s25, s21, $0x38;
	[tilespmem:$0x18200] =	vst v63  }
0x21e: {  	s6 =	sadd.s32 $0x9200, s5;
	s23 =	sadd.s32 $0x100, s22  }
0x21f: {  	[hbm4b:s23+s21] =	stream.strided.scatter [tilespmem:s6], [sflag:$0x5], $0x400, s25, s21, $0x38;
	[tilespmem:$0x18200] =	vst v63  }
.Ltmp4:
0x220: {  	s6 =	sadd.s32 $0x9600, s5;
	s23 =	sadd.s32 $0x140, s22;
	(pc) =	sbr.rel @p0 .LBB2_10-.Ltmp4, $4  }
0x221: {  	[hbm4b:s23+s21] =	stream.strided.scatter [tilespmem:s6], [sflag:$0x5], $0x400, s25, s21, $0x38;
	[tilespmem:$0x18200] =	vst v63  }
0x222: {  	s6 =	sadd.s32 $0x9A00, s5;
	s23 =	sadd.s32 $0x180, s22;
	s5 =	sadd.s32 $0x9E00, s5  }
0x223: {  	[hbm4b:s23+s21] =	stream.strided.scatter [tilespmem:s6], [sflag:$0x5], $0x400, s25, s21, $0x38;
	[tilespmem:$0x18200] =	vst v63  }
0x224: {  	s6 =	sadd.s32 $0x1C0, s22;
	s22 =	sadd.s32 $0x1000, s22;
	s23 =	smov.u32 s7  }
0x225: {  	[hbm4b:s6+s21] =	stream.strided.scatter [tilespmem:s5], [sflag:$0x5], $0x400, s25, s21, $0x38;
	[tilespmem:$0x18200] =	vst v63  }
0x226: {  	s6 =	sadd.s32 $0x8200, s0  }
0x227: {  	[hbm4b:s22+s21] =	stream.strided.scatter [tilespmem:s6], [sflag:$0x5], $0x400, s25, s21, $0x38;
	[tilespmem:$0x18200] =	vst v63  }
0x228: {  	s7 =	sadd.s32 $0x8600, s0;
	s23 =	sadd.s32 $0x40, s22  }
0x229: {  	[hbm4b:s23+s21] =	stream.strided.scatter [tilespmem:s7], [sflag:$0x5], $0x400, s25, s21, $0x38;
	[tilespmem:$0x18200] =	vst v63  }
0x22a: {  	s7 =	sadd.s32 $0x8A00, s0;
	s23 =	sadd.s32 $0x80, s22  }
0x22b: {  	[hbm4b:s23+s21] =	stream.strided.scatter [tilespmem:s7], [sflag:$0x5], $0x400, s25, s21, $0x38;
	[tilespmem:$0x18200] =	vst v63  }
0x22c: {  	s7 =	sadd.s32 $0x8E00, s0;
	s23 =	sadd.s32 $0xC0, s22  }
0x22d: {  	[hbm4b:s23+s21] =	stream.strided.scatter [tilespmem:s7], [sflag:$0x5], $0x400, s25, s21, $0x38;
	[tilespmem:$0x18200] =	vst v63  }
0x22e: {  	s7 =	sadd.s32 $0x9200, s0;
	s23 =	sadd.s32 $0x100, s22  }
0x22f: {  	[hbm4b:s23+s21] =	stream.strided.scatter [tilespmem:s7], [sflag:$0x5], $0x400, s25, s21, $0x38;
	[tilespmem:$0x18200] =	vst v63  }
0x230: {  	s7 =	sadd.s32 $0x9600, s0;
	s23 =	sadd.s32 $0x140, s22  }
0x231: {  	[hbm4b:s23+s21] =	stream.strided.scatter [tilespmem:s7], [sflag:$0x5], $0x400, s25, s21, $0x38;
	[tilespmem:$0x18200] =	vst v63  }
0x232: {  	s7 =	sadd.s32 $0x9A00, s0;
	s23 =	sadd.s32 $0x180, s22  }
0x233: {  	[hbm4b:s23+s21] =	stream.strided.scatter [tilespmem:s7], [sflag:$0x5], $0x400, s25, s21, $0x38;
	[tilespmem:$0x18200] =	vst v63  }
0x234: {  	s7 =	sadd.s32 $0x9E00, s0;
	s23 =	sadd.s32 $0x1C0, s22  }
0x235: {  	[hbm4b:s23+s21] =	stream.strided.scatter [tilespmem:s7], [sflag:$0x5], $0x400, s25, s21, $0x38;
	[tilespmem:$0x18200] =	vst v63  }
0x236: {  	_ =	swait.ge [sflag:s28], $0x8000  }
0x237: {  	[sflag:s28] =	ssyncset.done $0x0  }
0x238: {  	[sflag:s28] =	ssyncadd.s32 $0xFFFF8000  }
0x239: {  	v3 =	vld [tilespmem:$0x180];
	_ =	sdelay $0x4  }
0x23a: {  	v4 =	vshll.u32 v3, $0x3  }
0x23b: {  	v3 =	vand.u32 $0x7, v3;
	v4 =	vand.u32 $0xFFFFFFC0, v4  }
0x23c: {  	v3 =	vor.u32 v3, v4  }
0x23d: {  	v4 =	vperm.xlane v3, v0;
	_ =	sdelay $0x1  }
0x23e: {  	v4 =	vadd.s32 v1, v4;
	_ =	sdelay $0x3  }
0x23f: {  	s6 =	simm.s32 $0x200;
	s0 =	simm.s32 $0x0  }
0x240: {  	[tilespmem:s6], [sflag:$0x1] =	stream.indirect_vreg.gather [hbm4b:s2+s0], $0x80, v4, vm0, $0xb8;
	[tilespmem:$0x18200] =	vst v63  }
0x241: {  	s7 =	simm.s32 $0xA00;
	v3 =	vperm.xlane v3, v2  }
0x242: {  	[tilespmem:s7], [sflag:$0x1] =	stream.indirect_vreg.gather [hbm4b:s8+s0], $0x80, v4, vm0, $0xb8;
	[tilespmem:$0x18200] =	vst v63  }
0x243: {  	s22 =	simm.s32 $0x1200;
	v3 =	vadd.s32 v1, v3  }
0x244: {  	[tilespmem:s22], [sflag:$0x1] =	stream.indirect_vreg.gather [hbm4b:s9+s0], $0x80, v4, vm0, $0xb8;
	[tilespmem:$0x18200] =	vst v63  }
0x245: {  	s23 =	simm.s32 $0x1A00  }
0x246: {  	[tilespmem:s23], [sflag:$0x1] =	stream.indirect_vreg.gather [hbm4b:s11+s0], $0x80, v4, vm0, $0xb8;
	[tilespmem:$0x18200] =	vst v63  }
0x247: {  	s6 =	simm.s32 $0x2200  }
0x248: {  	[tilespmem:s6], [sflag:$0x1] =	stream.indirect_vreg.gather [hbm4b:s2+s0], $0x80, v3, vm0, $0xb8;
	[tilespmem:$0x18200] =	vst v63  }
0x249: {  	s7 =	simm.s32 $0x2A00  }
0x24a: {  	[tilespmem:s7], [sflag:$0x1] =	stream.indirect_vreg.gather [hbm4b:s8+s0], $0x80, v3, vm0, $0xb8;
	[tilespmem:$0x18200] =	vst v63  }
0x24b: {  	s22 =	simm.s32 $0x3200  }
0x24c: {  	[tilespmem:s22], [sflag:$0x1] =	stream.indirect_vreg.gather [hbm4b:s9+s0], $0x80, v3, vm0, $0xb8;
	[tilespmem:$0x18200] =	vst v63  }
0x24d: {  	s23 =	simm.s32 $0x3A00  }
0x24e: {  	[tilespmem:s23], [sflag:$0x1] =	stream.indirect_vreg.gather [hbm4b:s11+s0], $0x80, v3, vm0, $0xb8;
	[tilespmem:$0x18200] =	vst v63  }
0x24f: {  	v3 =	vld [tilespmem:$0x190];
	_ =	sdelay $0x4  }
0x250: {  	v63 =	vshll.u32 v3, $0x3  }
0x251: {  	v3 =	vand.u32 $0x7, v3;
	v4 =	vand.u32 $0xFFFFFFC0, v63  }
0x252: {  	v3 =	vor.u32 v3, v4  }
0x253: {  	v4 =	vperm.xlane v3, v0;
	_ =	sdelay $0x1  }
0x254: {  	v4 =	vadd.s32 v1, v4;
	_ =	sdelay $0x3  }
0x255: {  	s6 =	simm.s32 $0x4200  }
0x256: {  	[tilespmem:s6], [sflag:$0x1] =	stream.indirect_vreg.gather [hbm4b:s2+s0], $0x80, v4, vm0, $0xb8;
	[tilespmem:$0x18200] =	vst v63  }
0x257: {  	s7 =	simm.s32 $0x4A00;
	v3 =	vperm.xlane v3, v2  }
0x258: {  	[tilespmem:s7], [sflag:$0x1] =	stream.indirect_vreg.gather [hbm4b:s8+s0], $0x80, v4, vm0, $0xb8;
	[tilespmem:$0x18200] =	vst v63  }
0x259: {  	s22 =	simm.s32 $0x5200;
	v3 =	vadd.s32 v1, v3  }
0x25a: {  	[tilespmem:s22], [sflag:$0x1] =	stream.indirect_vreg.gather [hbm4b:s9+s0], $0x80, v4, vm0, $0xb8;
	[tilespmem:$0x18200] =	vst v63  }
0x25b: {  	s23 =	simm.s32 $0x5A00  }
0x25c: {  	[tilespmem:s23], [sflag:$0x1] =	stream.indirect_vreg.gather [hbm4b:s11+s0], $0x80, v4, vm0, $0xb8;
	[tilespmem:$0x18200] =	vst v63  }
0x25d: {  	s6 =	simm.s32 $0x6200  }
0x25e: {  	[tilespmem:s6], [sflag:$0x1] =	stream.indirect_vreg.gather [hbm4b:s2+s0], $0x80, v3, vm0, $0xb8;
	[tilespmem:$0x18200] =	vst v63  }
0x25f: {  	s7 =	simm.s32 $0x6A00  }
0x260: {  	[tilespmem:s7], [sflag:$0x1] =	stream.indirect_vreg.gather [hbm4b:s8+s0], $0x80, v3, vm0, $0xb8;
	[tilespmem:$0x18200] =	vst v63  }
0x261: {  	s22 =	simm.s32 $0x7200  }
0x262: {  	[tilespmem:s22], [sflag:$0x1] =	stream.indirect_vreg.gather [hbm4b:s9+s0], $0x80, v3, vm0, $0xb8;
	[tilespmem:$0x18200] =	vst v63  }
0x263: {  	s23 =	simm.s32 $0x7A00  }
0x264: {  	[tilespmem:s23], [sflag:$0x1] =	stream.indirect_vreg.gather [hbm4b:s11+s0], $0x80, v3, vm0, $0xb8;
	[tilespmem:$0x18200] =	vst v63  }
0x265: {  	_ =	swait.ge [sflag:s29], $0x8000  }
0x266: {  	[sflag:s29] =	ssyncset.done $0x0  }
0x267: {  	s5 =	simm.s32 $0x10200;
	[sflag:s29] =	ssyncadd.s32 $0xFFFF8000  }
0x268: {  	[hbm4b:s16+s21] =	stream.strided.scatter [tilespmem:s5], [sflag:$0x6], $0x400, s25, s21, $0x38;
	[tilespmem:$0x18200] =	vst v63  }
0x269: {  	s6 =	simm.s32 $0x10600;
	s7 =	sadd.s32 $0x40, s16  }
0x26a: {  	[hbm4b:s7+s21] =	stream.strided.scatter [tilespmem:s6], [sflag:$0x6], $0x400, s25, s21, $0x38;
	[tilespmem:$0x18200] =	vst v63  }
0x26b: {  	s22 =	simm.s32 $0x10A00;
	s23 =	sadd.s32 $0x80, s16  }
0x26c: {  	[hbm4b:s23+s21] =	stream.strided.scatter [tilespmem:s22], [sflag:$0x6], $0x400, s25, s21, $0x38;
	[tilespmem:$0x18200] =	vst v63  }
0x26d: {  	s6 =	simm.s32 $0x10E00;
	s7 =	sadd.s32 $0xC0, s16  }
0x26e: {  	[hbm4b:s7+s21] =	stream.strided.scatter [tilespmem:s6], [sflag:$0x6], $0x400, s25, s21, $0x38;
	[tilespmem:$0x18200] =	vst v63  }
0x26f: {  	s22 =	simm.s32 $0x11200;
	s23 =	sadd.s32 $0x100, s16  }
0x270: {  	[hbm4b:s23+s21] =	stream.strided.scatter [tilespmem:s22], [sflag:$0x6], $0x400, s25, s21, $0x38;
	[tilespmem:$0x18200] =	vst v63  }
0x271: {  	s0 =	simm.s32 $0x2000;
	s6 =	simm.s32 $0x11600;
	s7 =	sadd.s32 $0x140, s16  }
0x272: {  	[hbm4b:s7+s21] =	stream.strided.scatter [tilespmem:s6], [sflag:$0x6], $0x400, s25, s21, $0x38;
	[tilespmem:$0x18200] =	vst v63  }
0x273: {  	s5 =	simm.s32 $0x11E00;
	s22 =	simm.s32 $0x11A00;
	s23 =	sadd.s32 $0x180, s16  }
0x274: {  	[hbm4b:s23+s21] =	stream.strided.scatter [tilespmem:s22], [sflag:$0x6], $0x400, s25, s21, $0x38;
	[tilespmem:$0x18200] =	vst v63  }
0x275: {  	s6 =	sadd.s32 $0x1C0, s16;
	s23 =	simm.s32 $0x10000;
	s22 =	sadd.s32 $0x1000, s16  }
.LBB2_12:
0x276: {  	[hbm4b:s6+s21] =	stream.strided.scatter [tilespmem:s5], [sflag:$0x6], $0x400, s25, s21, $0x38;
	[tilespmem:$0x18200] =	vst v63  }
0x277: {  	s5 =	smov.u32 s0;
	s0 =	smov.u32 s23  }
0x278: {  	s7 =	sadd.s32 $0x8000, s23;
	s0 =	sshra.s32 s0, $0x2;
	s6 =	sadd.s32 $0x10200, s5  }
0x279: {  	[hbm4b:s22+s21] =	stream.strided.scatter [tilespmem:s6], [sflag:$0x6], $0x400, s25, s21, $0x38;
	[tilespmem:$0x18200] =	vst v63  }
0x27a: {  	p0 =	sne.s32 s23, $0x18000;
	s23 =	sadd.s32 $0x40, s22;
	s6 =	sadd.s32 $0x10600, s5  }
0x27b: {  	[hbm4b:s23+s21] =	stream.strided.scatter [tilespmem:s6], [sflag:$0x6], $0x400, s25, s21, $0x38;
	[tilespmem:$0x18200] =	vst v63  }
0x27c: {  	s6 =	sadd.s32 $0x10A00, s5;
	s23 =	sadd.s32 $0x80, s22  }
0x27d: {  	[hbm4b:s23+s21] =	stream.strided.scatter [tilespmem:s6], [sflag:$0x6], $0x400, s25, s21, $0x38;
	[tilespmem:$0x18200] =	vst v63  }
0x27e: {  	s6 =	sadd.s32 $0x10E00, s5;
	s23 =	sadd.s32 $0xC0, s22  }
0x27f: {  	[hbm4b:s23+s21] =	stream.strided.scatter [tilespmem:s6], [sflag:$0x6], $0x400, s25, s21, $0x38;
	[tilespmem:$0x18200] =	vst v63  }
0x280: {  	s6 =	sadd.s32 $0x11200, s5;
	s23 =	sadd.s32 $0x100, s22  }
0x281: {  	[hbm4b:s23+s21] =	stream.strided.scatter [tilespmem:s6], [sflag:$0x6], $0x400, s25, s21, $0x38;
	[tilespmem:$0x18200] =	vst v63  }
.Ltmp5:
0x282: {  	s6 =	sadd.s32 $0x11600, s5;
	s23 =	sadd.s32 $0x140, s22;
	(pc) =	sbr.rel @p0 .LBB2_12-.Ltmp5, $4  }
0x283: {  	[hbm4b:s23+s21] =	stream.strided.scatter [tilespmem:s6], [sflag:$0x6], $0x400, s25, s21, $0x38;
	[tilespmem:$0x18200] =	vst v63  }
0x284: {  	s6 =	sadd.s32 $0x11A00, s5;
	s23 =	sadd.s32 $0x180, s22;
	s5 =	sadd.s32 $0x11E00, s5  }
0x285: {  	[hbm4b:s23+s21] =	stream.strided.scatter [tilespmem:s6], [sflag:$0x6], $0x400, s25, s21, $0x38;
	[tilespmem:$0x18200] =	vst v63  }
0x286: {  	s6 =	sadd.s32 $0x1C0, s22;
	s22 =	sadd.s32 $0x1000, s22;
	s23 =	smov.u32 s7  }
0x287: {  	[hbm4b:s6+s21] =	stream.strided.scatter [tilespmem:s5], [sflag:$0x6], $0x400, s25, s21, $0x38;
	[tilespmem:$0x18200] =	vst v63  }
0x288: {  	s6 =	sadd.s32 $0x10200, s0  }
0x289: {  	[hbm4b:s22+s21] =	stream.strided.scatter [tilespmem:s6], [sflag:$0x6], $0x400, s25, s21, $0x38;
	[tilespmem:$0x18200] =	vst v63  }
0x28a: {  	s7 =	sadd.s32 $0x10600, s0;
	s23 =	sadd.s32 $0x40, s22  }
0x28b: {  	[hbm4b:s23+s21] =	stream.strided.scatter [tilespmem:s7], [sflag:$0x6], $0x400, s25, s21, $0x38;
	[tilespmem:$0x18200] =	vst v63  }
0x28c: {  	s7 =	sadd.s32 $0x10A00, s0;
	s23 =	sadd.s32 $0x80, s22  }
0x28d: {  	[hbm4b:s23+s21] =	stream.strided.scatter [tilespmem:s7], [sflag:$0x6], $0x400, s25, s21, $0x38;
	[tilespmem:$0x18200] =	vst v63  }
0x28e: {  	s7 =	sadd.s32 $0x10E00, s0;
	s23 =	sadd.s32 $0xC0, s22  }
0x28f: {  	[hbm4b:s23+s21] =	stream.strided.scatter [tilespmem:s7], [sflag:$0x6], $0x400, s25, s21, $0x38;
	[tilespmem:$0x18200] =	vst v63  }
0x290: {  	s7 =	sadd.s32 $0x11200, s0;
	s23 =	sadd.s32 $0x100, s22  }
0x291: {  	[hbm4b:s23+s21] =	stream.strided.scatter [tilespmem:s7], [sflag:$0x6], $0x400, s25, s21, $0x38;
	[tilespmem:$0x18200] =	vst v63  }
0x292: {  	s7 =	sadd.s32 $0x11600, s0;
	s23 =	sadd.s32 $0x140, s22  }
0x293: {  	[hbm4b:s23+s21] =	stream.strided.scatter [tilespmem:s7], [sflag:$0x6], $0x400, s25, s21, $0x38;
	[tilespmem:$0x18200] =	vst v63  }
0x294: {  	s7 =	sadd.s32 $0x11A00, s0;
	s23 =	sadd.s32 $0x180, s22  }
0x295: {  	[hbm4b:s23+s21] =	stream.strided.scatter [tilespmem:s7], [sflag:$0x6], $0x400, s25, s21, $0x38;
	[tilespmem:$0x18200] =	vst v63  }
0x296: {  	s6 =	sadd.s32 $0x11E00, s0;
	s7 =	sadd.s32 $0x1C0, s22  }
0x297: {  	[hbm4b:s7+s21] =	stream.strided.scatter [tilespmem:s6], [sflag:$0x6], $0x400, s25, s21, $0x38;
	[tilespmem:$0x18200] =	vst v63  }
0x298: {  	_ =	swait.ge [sflag:s30], $0x8000  }
0x299: {  	[sflag:s30] =	ssyncset.done $0x0  }
0x29a: {  	[sflag:s30] =	ssyncadd.s32 $0xFFFF8000  }
0x29b: {  	v3 =	vld [tilespmem:$0x1A0];
	_ =	sdelay $0x4  }
0x29c: {  	v4 =	vshll.u32 v3, $0x3  }
0x29d: {  	v3 =	vand.u32 $0x7, v3;
	v4 =	vand.u32 $0xFFFFFFC0, v4  }
0x29e: {  	v3 =	vor.u32 v3, v4  }
0x29f: {  	v4 =	vperm.xlane v3, v0;
	_ =	sdelay $0x1  }
0x2a0: {  	v4 =	vadd.s32 v1, v4;
	_ =	sdelay $0x3  }
0x2a1: {  	s0 =	simm.s32 $0x0;
	s22 =	simm.s32 $0x8200  }
0x2a2: {  	[tilespmem:s22], [sflag:$0x2] =	stream.indirect_vreg.gather [hbm4b:s2+s0], $0x80, v4, vm0, $0xb8;
	[tilespmem:$0x18200] =	vst v63  }
0x2a3: {  	s23 =	simm.s32 $0x8A00;
	v3 =	vperm.xlane v3, v2  }
0x2a4: {  	[tilespmem:s23], [sflag:$0x2] =	stream.indirect_vreg.gather [hbm4b:s8+s0], $0x80, v4, vm0, $0xb8;
	[tilespmem:$0x18200] =	vst v63  }
0x2a5: {  	s6 =	simm.s32 $0x9200;
	v3 =	vadd.s32 v1, v3  }
0x2a6: {  	[tilespmem:s6], [sflag:$0x2] =	stream.indirect_vreg.gather [hbm4b:s9+s0], $0x80, v4, vm0, $0xb8;
	[tilespmem:$0x18200] =	vst v63  }
0x2a7: {  	s7 =	simm.s32 $0x9A00  }
0x2a8: {  	[tilespmem:s7], [sflag:$0x2] =	stream.indirect_vreg.gather [hbm4b:s11+s0], $0x80, v4, vm0, $0xb8;
	[tilespmem:$0x18200] =	vst v63  }
0x2a9: {  	s22 =	simm.s32 $0xA200  }
0x2aa: {  	[tilespmem:s22], [sflag:$0x2] =	stream.indirect_vreg.gather [hbm4b:s2+s0], $0x80, v3, vm0, $0xb8;
	[tilespmem:$0x18200] =	vst v63  }
0x2ab: {  	s23 =	simm.s32 $0xAA00  }
0x2ac: {  	[tilespmem:s23], [sflag:$0x2] =	stream.indirect_vreg.gather [hbm4b:s8+s0], $0x80, v3, vm0, $0xb8;
	[tilespmem:$0x18200] =	vst v63  }
0x2ad: {  	s6 =	simm.s32 $0xB200  }
0x2ae: {  	[tilespmem:s6], [sflag:$0x2] =	stream.indirect_vreg.gather [hbm4b:s9+s0], $0x80, v3, vm0, $0xb8;
	[tilespmem:$0x18200] =	vst v63  }
0x2af: {  	s7 =	simm.s32 $0xBA00  }
0x2b0: {  	[tilespmem:s7], [sflag:$0x2] =	stream.indirect_vreg.gather [hbm4b:s11+s0], $0x80, v3, vm0, $0xb8;
	[tilespmem:$0x18200] =	vst v63  }
0x2b1: {  	v3 =	vld [tilespmem:$0x1B0];
	_ =	sdelay $0x4  }
0x2b2: {  	v63 =	vshll.u32 v3, $0x3  }
0x2b3: {  	v3 =	vand.u32 $0x7, v3;
	v4 =	vand.u32 $0xFFFFFFC0, v63  }
0x2b4: {  	v3 =	vor.u32 v3, v4  }
0x2b5: {  	v4 =	vperm.xlane v3, v0;
	_ =	sdelay $0x1  }
0x2b6: {  	v4 =	vadd.s32 v1, v4;
	_ =	sdelay $0x3  }
0x2b7: {  	s22 =	simm.s32 $0xC200  }
0x2b8: {  	[tilespmem:s22], [sflag:$0x2] =	stream.indirect_vreg.gather [hbm4b:s2+s0], $0x80, v4, vm0, $0xb8;
	[tilespmem:$0x18200] =	vst v63  }
0x2b9: {  	s23 =	simm.s32 $0xCA00;
	v3 =	vperm.xlane v3, v2  }
0x2ba: {  	[tilespmem:s23], [sflag:$0x2] =	stream.indirect_vreg.gather [hbm4b:s8+s0], $0x80, v4, vm0, $0xb8;
	[tilespmem:$0x18200] =	vst v63  }
0x2bb: {  	s6 =	simm.s32 $0xD200;
	v3 =	vadd.s32 v1, v3  }
0x2bc: {  	[tilespmem:s6], [sflag:$0x2] =	stream.indirect_vreg.gather [hbm4b:s9+s0], $0x80, v4, vm0, $0xb8;
	[tilespmem:$0x18200] =	vst v63  }
0x2bd: {  	s7 =	simm.s32 $0xDA00  }
0x2be: {  	[tilespmem:s7], [sflag:$0x2] =	stream.indirect_vreg.gather [hbm4b:s11+s0], $0x80, v4, vm0, $0xb8;
	[tilespmem:$0x18200] =	vst v63  }
0x2bf: {  	s22 =	simm.s32 $0xE200  }
0x2c0: {  	[tilespmem:s22], [sflag:$0x2] =	stream.indirect_vreg.gather [hbm4b:s2+s0], $0x80, v3, vm0, $0xb8;
	[tilespmem:$0x18200] =	vst v63  }
0x2c1: {  	s23 =	simm.s32 $0xEA00  }
0x2c2: {  	[tilespmem:s23], [sflag:$0x2] =	stream.indirect_vreg.gather [hbm4b:s8+s0], $0x80, v3, vm0, $0xb8;
	[tilespmem:$0x18200] =	vst v63  }
0x2c3: {  	_ = 	snop  }
0x2c4: {  	[tilespmem:s19], [sflag:$0x2] =	stream.indirect_vreg.gather [hbm4b:s9+s0], $0x80, v3, vm0, $0xb8;
	[tilespmem:$0x18200] =	vst v63  }
0x2c5: {  	_ = 	snop  }
0x2c6: {  	[tilespmem:s4], [sflag:$0x2] =	stream.indirect_vreg.gather [hbm4b:s11+s0], $0x80, v3, vm0, $0xb8;
	[tilespmem:$0x18200] =	vst v63  }
0x2c7: {  	_ =	swait.ge [sflag:s24], $0x8000  }
0x2c8: {  	[sflag:s24] =	ssyncset.done $0x0  }
0x2c9: {  	s5 =	simm.s32 $0x200;
	[sflag:s24] =	ssyncadd.s32 $0xFFFF8000  }
0x2ca: {  	[hbm4b:s17+s21] =	stream.strided.scatter [tilespmem:s5], [sflag:$0x4], $0x400, s25, s21, $0x38;
	[tilespmem:$0x18200] =	vst v63  }
0x2cb: {  	s6 =	simm.s32 $0x600;
	s7 =	sadd.s32 $0x40, s17  }
0x2cc: {  	[hbm4b:s7+s21] =	stream.strided.scatter [tilespmem:s6], [sflag:$0x4], $0x400, s25, s21, $0x38;
	[tilespmem:$0x18200] =	vst v63  }
0x2cd: {  	s22 =	simm.s32 $0xA00;
	s23 =	sadd.s32 $0x80, s17  }
0x2ce: {  	[hbm4b:s23+s21] =	stream.strided.scatter [tilespmem:s22], [sflag:$0x4], $0x400, s25, s21, $0x38;
	[tilespmem:$0x18200] =	vst v63  }
0x2cf: {  	s6 =	simm.s32 $0xE00;
	s7 =	sadd.s32 $0xC0, s17  }
0x2d0: {  	[hbm4b:s7+s21] =	stream.strided.scatter [tilespmem:s6], [sflag:$0x4], $0x400, s25, s21, $0x38;
	[tilespmem:$0x18200] =	vst v63  }
0x2d1: {  	s22 =	simm.s32 $0x1200;
	s23 =	sadd.s32 $0x100, s17  }
0x2d2: {  	[hbm4b:s23+s21] =	stream.strided.scatter [tilespmem:s22], [sflag:$0x4], $0x400, s25, s21, $0x38;
	[tilespmem:$0x18200] =	vst v63  }
0x2d3: {  	s0 =	simm.s32 $0x2000;
	s6 =	simm.s32 $0x1600;
	s7 =	sadd.s32 $0x140, s17  }
0x2d4: {  	[hbm4b:s7+s21] =	stream.strided.scatter [tilespmem:s6], [sflag:$0x4], $0x400, s25, s21, $0x38;
	[tilespmem:$0x18200] =	vst v63  }
0x2d5: {  	s5 =	simm.s32 $0x1E00;
	s22 =	simm.s32 $0x1A00;
	s23 =	sadd.s32 $0x180, s17  }
0x2d6: {  	[hbm4b:s23+s21] =	stream.strided.scatter [tilespmem:s22], [sflag:$0x4], $0x400, s25, s21, $0x38;
	[tilespmem:$0x18200] =	vst v63  }
0x2d7: {  	s6 =	sadd.s32 $0x1C0, s17;
	s23 =	simm.s32 $0x10000;
	s22 =	sadd.s32 $0x1000, s17  }
.LBB2_14:
0x2d8: {  	[hbm4b:s6+s21] =	stream.strided.scatter [tilespmem:s5], [sflag:$0x4], $0x400, s25, s21, $0x38;
	[tilespmem:$0x18200] =	vst v63  }
0x2d9: {  	s5 =	smov.u32 s0;
	s0 =	smov.u32 s23  }
0x2da: {  	s7 =	sadd.s32 $0x8000, s23;
	s0 =	sshra.s32 s0, $0x2;
	s6 =	sadd.s32 $0x200, s5  }
0x2db: {  	[hbm4b:s22+s21] =	stream.strided.scatter [tilespmem:s6], [sflag:$0x4], $0x400, s25, s21, $0x38;
	[tilespmem:$0x18200] =	vst v63  }
0x2dc: {  	p0 =	sne.s32 s23, $0x18000;
	s23 =	sadd.s32 $0x40, s22;
	s6 =	sadd.s32 $0x600, s5  }
0x2dd: {  	[hbm4b:s23+s21] =	stream.strided.scatter [tilespmem:s6], [sflag:$0x4], $0x400, s25, s21, $0x38;
	[tilespmem:$0x18200] =	vst v63  }
0x2de: {  	s6 =	sadd.s32 $0xA00, s5;
	s23 =	sadd.s32 $0x80, s22  }
0x2df: {  	[hbm4b:s23+s21] =	stream.strided.scatter [tilespmem:s6], [sflag:$0x4], $0x400, s25, s21, $0x38;
	[tilespmem:$0x18200] =	vst v63  }
0x2e0: {  	s6 =	sadd.s32 $0xE00, s5;
	s23 =	sadd.s32 $0xC0, s22  }
0x2e1: {  	[hbm4b:s23+s21] =	stream.strided.scatter [tilespmem:s6], [sflag:$0x4], $0x400, s25, s21, $0x38;
	[tilespmem:$0x18200] =	vst v63  }
0x2e2: {  	s6 =	sadd.s32 $0x1200, s5;
	s23 =	sadd.s32 $0x100, s22  }
0x2e3: {  	[hbm4b:s23+s21] =	stream.strided.scatter [tilespmem:s6], [sflag:$0x4], $0x400, s25, s21, $0x38;
	[tilespmem:$0x18200] =	vst v63  }
.Ltmp6:
0x2e4: {  	s6 =	sadd.s32 $0x1600, s5;
	s23 =	sadd.s32 $0x140, s22;
	(pc) =	sbr.rel @p0 .LBB2_14-.Ltmp6, $4  }
0x2e5: {  	[hbm4b:s23+s21] =	stream.strided.scatter [tilespmem:s6], [sflag:$0x4], $0x400, s25, s21, $0x38;
	[tilespmem:$0x18200] =	vst v63  }
0x2e6: {  	s6 =	sadd.s32 $0x1A00, s5;
	s23 =	sadd.s32 $0x180, s22;
	s5 =	sadd.s32 $0x1E00, s5  }
0x2e7: {  	[hbm4b:s23+s21] =	stream.strided.scatter [tilespmem:s6], [sflag:$0x4], $0x400, s25, s21, $0x38;
	[tilespmem:$0x18200] =	vst v63  }
0x2e8: {  	s6 =	sadd.s32 $0x1C0, s22;
	s22 =	sadd.s32 $0x1000, s22;
	s23 =	smov.u32 s7  }
0x2e9: {  	[hbm4b:s6+s21] =	stream.strided.scatter [tilespmem:s5], [sflag:$0x4], $0x400, s25, s21, $0x38;
	[tilespmem:$0x18200] =	vst v63  }
0x2ea: {  	s6 =	sadd.s32 $0x200, s0  }
0x2eb: {  	[hbm4b:s22+s21] =	stream.strided.scatter [tilespmem:s6], [sflag:$0x4], $0x400, s25, s21, $0x38;
	[tilespmem:$0x18200] =	vst v63  }
0x2ec: {  	s7 =	sadd.s32 $0x600, s0;
	s23 =	sadd.s32 $0x40, s22  }
0x2ed: {  	[hbm4b:s23+s21] =	stream.strided.scatter [tilespmem:s7], [sflag:$0x4], $0x400, s25, s21, $0x38;
	[tilespmem:$0x18200] =	vst v63  }
0x2ee: {  	s7 =	sadd.s32 $0xA00, s0;
	s23 =	sadd.s32 $0x80, s22  }
0x2ef: {  	[hbm4b:s23+s21] =	stream.strided.scatter [tilespmem:s7], [sflag:$0x4], $0x400, s25, s21, $0x38;
	[tilespmem:$0x18200] =	vst v63  }
0x2f0: {  	s7 =	sadd.s32 $0xE00, s0;
	s23 =	sadd.s32 $0xC0, s22  }
0x2f1: {  	[hbm4b:s23+s21] =	stream.strided.scatter [tilespmem:s7], [sflag:$0x4], $0x400, s25, s21, $0x38;
	[tilespmem:$0x18200] =	vst v63  }
0x2f2: {  	s7 =	sadd.s32 $0x1200, s0;
	s23 =	sadd.s32 $0x100, s22  }
0x2f3: {  	[hbm4b:s23+s21] =	stream.strided.scatter [tilespmem:s7], [sflag:$0x4], $0x400, s25, s21, $0x38;
	[tilespmem:$0x18200] =	vst v63  }
0x2f4: {  	s7 =	sadd.s32 $0x1600, s0;
	s23 =	sadd.s32 $0x140, s22  }
0x2f5: {  	[hbm4b:s23+s21] =	stream.strided.scatter [tilespmem:s7], [sflag:$0x4], $0x400, s25, s21, $0x38;
	[tilespmem:$0x18200] =	vst v63  }
0x2f6: {  	s7 =	sadd.s32 $0x1A00, s0;
	s23 =	sadd.s32 $0x180, s22  }
0x2f7: {  	[hbm4b:s23+s21] =	stream.strided.scatter [tilespmem:s7], [sflag:$0x4], $0x400, s25, s21, $0x38;
	[tilespmem:$0x18200] =	vst v63  }
0x2f8: {  	s7 =	sadd.s32 $0x1E00, s0;
	s23 =	sadd.s32 $0x1C0, s22  }
0x2f9: {  	[hbm4b:s23+s21] =	stream.strided.scatter [tilespmem:s7], [sflag:$0x4], $0x400, s25, s21, $0x38;
	[tilespmem:$0x18200] =	vst v63  }
0x2fa: {  	_ =	swait.ge [sflag:s26], $0x8000  }
0x2fb: {  	[sflag:s26] =	ssyncset.done $0x0  }
0x2fc: {  	s5 =	simm.s32 $0x8200;
	[sflag:s26] =	ssyncadd.s32 $0xFFFF8000  }
0x2fd: {  	[hbm4b:s18+s21] =	stream.strided.scatter [tilespmem:s5], [sflag:$0x5], $0x400, s25, s21, $0x38;
	[tilespmem:$0x18200] =	vst v63  }
0x2fe: {  	s6 =	simm.s32 $0x8600;
	s7 =	sadd.s32 $0x40, s18  }
0x2ff: {  	[hbm4b:s7+s21] =	stream.strided.scatter [tilespmem:s6], [sflag:$0x5], $0x400, s25, s21, $0x38;
	[tilespmem:$0x18200] =	vst v63  }
0x300: {  	s22 =	simm.s32 $0x8A00;
	s23 =	sadd.s32 $0x80, s18  }
0x301: {  	[hbm4b:s23+s21] =	stream.strided.scatter [tilespmem:s22], [sflag:$0x5], $0x400, s25, s21, $0x38;
	[tilespmem:$0x18200] =	vst v63  }
0x302: {  	s6 =	simm.s32 $0x8E00;
	s7 =	sadd.s32 $0xC0, s18  }
0x303: {  	[hbm4b:s7+s21] =	stream.strided.scatter [tilespmem:s6], [sflag:$0x5], $0x400, s25, s21, $0x38;
	[tilespmem:$0x18200] =	vst v63  }
0x304: {  	s22 =	simm.s32 $0x9200;
	s23 =	sadd.s32 $0x100, s18  }
0x305: {  	[hbm4b:s23+s21] =	stream.strided.scatter [tilespmem:s22], [sflag:$0x5], $0x400, s25, s21, $0x38;
	[tilespmem:$0x18200] =	vst v63  }
0x306: {  	s0 =	simm.s32 $0x2000;
	s6 =	simm.s32 $0x9600;
	s7 =	sadd.s32 $0x140, s18  }
0x307: {  	[hbm4b:s7+s21] =	stream.strided.scatter [tilespmem:s6], [sflag:$0x5], $0x400, s25, s21, $0x38;
	[tilespmem:$0x18200] =	vst v63  }
0x308: {  	s5 =	simm.s32 $0x9E00;
	s22 =	simm.s32 $0x9A00;
	s23 =	sadd.s32 $0x180, s18  }
0x309: {  	[hbm4b:s23+s21] =	stream.strided.scatter [tilespmem:s22], [sflag:$0x5], $0x400, s25, s21, $0x38;
	[tilespmem:$0x18200] =	vst v63  }
0x30a: {  	s6 =	sadd.s32 $0x1C0, s18;
	s23 =	simm.s32 $0x10000;
	s22 =	sadd.s32 $0x1000, s18  }
.LBB2_16:
0x30b: {  	[hbm4b:s6+s21] =	stream.strided.scatter [tilespmem:s5], [sflag:$0x5], $0x400, s25, s21, $0x38;
	[tilespmem:$0x18200] =	vst v63  }
0x30c: {  	s5 =	smov.u32 s0;
	s0 =	smov.u32 s23  }
0x30d: {  	s7 =	sadd.s32 $0x8000, s23;
	s0 =	sshra.s32 s0, $0x2;
	s6 =	sadd.s32 $0x8200, s5  }
0x30e: {  	[hbm4b:s22+s21] =	stream.strided.scatter [tilespmem:s6], [sflag:$0x5], $0x400, s25, s21, $0x38;
	[tilespmem:$0x18200] =	vst v63  }
0x30f: {  	p0 =	sne.s32 s23, $0x18000;
	s23 =	sadd.s32 $0x40, s22;
	s6 =	sadd.s32 $0x8600, s5  }
0x310: {  	[hbm4b:s23+s21] =	stream.strided.scatter [tilespmem:s6], [sflag:$0x5], $0x400, s25, s21, $0x38;
	[tilespmem:$0x18200] =	vst v63  }
0x311: {  	s6 =	sadd.s32 $0x8A00, s5;
	s23 =	sadd.s32 $0x80, s22  }
0x312: {  	[hbm4b:s23+s21] =	stream.strided.scatter [tilespmem:s6], [sflag:$0x5], $0x400, s25, s21, $0x38;
	[tilespmem:$0x18200] =	vst v63  }
0x313: {  	s6 =	sadd.s32 $0x8E00, s5;
	s23 =	sadd.s32 $0xC0, s22  }
0x314: {  	[hbm4b:s23+s21] =	stream.strided.scatter [tilespmem:s6], [sflag:$0x5], $0x400, s25, s21, $0x38;
	[tilespmem:$0x18200] =	vst v63  }
0x315: {  	s6 =	sadd.s32 $0x9200, s5;
	s23 =	sadd.s32 $0x100, s22  }
0x316: {  	[hbm4b:s23+s21] =	stream.strided.scatter [tilespmem:s6], [sflag:$0x5], $0x400, s25, s21, $0x38;
	[tilespmem:$0x18200] =	vst v63  }
.Ltmp7:
0x317: {  	s6 =	sadd.s32 $0x9600, s5;
	s23 =	sadd.s32 $0x140, s22;
	(pc) =	sbr.rel @p0 .LBB2_16-.Ltmp7, $4  }
0x318: {  	[hbm4b:s23+s21] =	stream.strided.scatter [tilespmem:s6], [sflag:$0x5], $0x400, s25, s21, $0x38;
	[tilespmem:$0x18200] =	vst v63  }
0x319: {  	s6 =	sadd.s32 $0x9A00, s5;
	s23 =	sadd.s32 $0x180, s22;
	s5 =	sadd.s32 $0x9E00, s5  }
0x31a: {  	[hbm4b:s23+s21] =	stream.strided.scatter [tilespmem:s6], [sflag:$0x5], $0x400, s25, s21, $0x38;
	[tilespmem:$0x18200] =	vst v63  }
0x31b: {  	s6 =	sadd.s32 $0x1C0, s22;
	s22 =	sadd.s32 $0x1000, s22;
	s23 =	smov.u32 s7  }
0x31c: {  	[hbm4b:s6+s21] =	stream.strided.scatter [tilespmem:s5], [sflag:$0x5], $0x400, s25, s21, $0x38;
	[tilespmem:$0x18200] =	vst v63  }
0x31d: {  	s6 =	sadd.s32 $0x8200, s0  }
0x31e: {  	[hbm4b:s22+s21] =	stream.strided.scatter [tilespmem:s6], [sflag:$0x5], $0x400, s25, s21, $0x38;
	[tilespmem:$0x18200] =	vst v63  }
0x31f: {  	s7 =	sadd.s32 $0x8600, s0;
	s23 =	sadd.s32 $0x40, s22  }
0x320: {  	[hbm4b:s23+s21] =	stream.strided.scatter [tilespmem:s7], [sflag:$0x5], $0x400, s25, s21, $0x38;
	[tilespmem:$0x18200] =	vst v63  }
0x321: {  	s7 =	sadd.s32 $0x8A00, s0;
	s23 =	sadd.s32 $0x80, s22  }
0x322: {  	[hbm4b:s23+s21] =	stream.strided.scatter [tilespmem:s7], [sflag:$0x5], $0x400, s25, s21, $0x38;
	[tilespmem:$0x18200] =	vst v63  }
0x323: {  	s7 =	sadd.s32 $0x8E00, s0;
	s23 =	sadd.s32 $0xC0, s22  }
0x324: {  	[hbm4b:s23+s21] =	stream.strided.scatter [tilespmem:s7], [sflag:$0x5], $0x400, s25, s21, $0x38;
	[tilespmem:$0x18200] =	vst v63  }
0x325: {  	s7 =	sadd.s32 $0x9200, s0;
	s23 =	sadd.s32 $0x100, s22  }
0x326: {  	[hbm4b:s23+s21] =	stream.strided.scatter [tilespmem:s7], [sflag:$0x5], $0x400, s25, s21, $0x38;
	[tilespmem:$0x18200] =	vst v63  }
0x327: {  	s7 =	sadd.s32 $0x9600, s0;
	s23 =	sadd.s32 $0x140, s22  }
0x328: {  	[hbm4b:s23+s21] =	stream.strided.scatter [tilespmem:s7], [sflag:$0x5], $0x400, s25, s21, $0x38;
	[tilespmem:$0x18200] =	vst v63  }
0x329: {  	s7 =	sadd.s32 $0x9A00, s0;
	s23 =	sadd.s32 $0x180, s22  }
0x32a: {  	[hbm4b:s23+s21] =	stream.strided.scatter [tilespmem:s7], [sflag:$0x5], $0x400, s25, s21, $0x38;
	[tilespmem:$0x18200] =	vst v63  }
0x32b: {  	s22 =	sadd.s32 $0x1C0, s22;
	s7 =	sadd.s32 $0x9E00, s0  }
0x32c: {  	[hbm4b:s22+s21] =	stream.strided.scatter [tilespmem:s7], [sflag:$0x5], $0x400, s25, s21, $0x38;
	[tilespmem:$0x18200] =	vst v63  }
0x32d: {  	_ =	swait.ge [sflag:s31], $0x8000  }
0x32e: {  	[sflag:s31] =	ssyncset.done $0x0  }
0x32f: {  	[sflag:s31] =	ssyncadd.s32 $0xFFFF8000  }
0x330: {  	_ =	swait.ge [sflag:s28], $0x8000  }
0x331: {  	[sflag:s28] =	ssyncset.done $0x0  }
0x332: {  	[sflag:s28] =	ssyncadd.s32 $0xFFFF8000  }
0x333: {  	_ =	swait.ge [sflag:s30], $0x8000  }
0x334: {  	s1 =	sadd.s32 $0x1, s1;
	s23 =	rddreg [dreg:$0x8]  }
0x335: {  	p0 =	sne.s32 s1, s23  }
.Ltmp8:
0x336: {  	_ = 	snop;
	(pc) =	sbr.rel @p0 .LBB2_1-.Ltmp8, $3  }
0x337: {  	_ =	sdelay $0x1  }
0x338: {  	[sflag:s30] =	ssyncset.done $0x0  }
0x339: {  	[sflag:s30] =	ssyncadd.s32 $0xFFFF8000  }
0x33a: {  	_ =	sfence.sel $0x180000  }
0x33b: {  	[bflag:$0x0] =	sbarrier.arrive $0xFFFF  }
0x33c: {  	_ =	strace $0x90000047  }
0x33d: {  	s0 =	stileid.u32;
	[bflag:$0x2] =	sbarrier.arrive $0xFFFF  }
0x33e: {  	p0 =	sne.s32 s0, $0x0;
	s0 =	rddreg [dreg:$0x3]  }
0x33f: {  	s0 =	sadd.s32 @!p0 $0x100000, s0  }
0x340: {  	[sflag:s0] =	ssyncadd.tile.s32 @!p0 $0x1;
	_ =	shalt  }
.Lfunc_end2:
_tile_overlayer_lowered:
.L_overlay_start_2:
0x341: {  	(tag) =	ssettag $0x2  }
0x342: {  	s0 =	rddreg [dreg:$0x0];
	s2 =	stileid.u32  }
0x343: {  	s1 =	rddreg [dreg:$0x1];
	p0 =	sne.s32 s2, $0x0  }
0x344: {  	s3 =	rddreg [dreg:$0x2];
	[bflag:$0x3] =	sbarrier.arrive $0xFFFF;
	s2 =	simm.s32 @!p0 $0x1C07  }
0x345: {  	[timem:s3], [sflag:s2] =	dma.local @!p0 [hbm:s0], s1  }
0x346: {  	s0 =	simm.s32 @!p0 $0x7  }
0x347: {  	_ =	swait.ge @!p0 [sflag:s0], s1  }
0x348: {  	s1 =	ssub.s32 @!p0 $0x0, s1;
	[sflag:s0] =	ssyncset.done @!p0 $0x0  }
0x349: {  	[sflag:s0] =	ssyncadd.s32 @!p0 s1  }
0x34a: {  	[bflag:$0x3] =	sbarrier.arrive $0xFFFF  }
0x34b: {  	_ =	shalt  }

</sc_bundles>
